<compile_context>
chip_gen: v7x
topology: tpu7x:2x2x1
jax: 0.10.2.dev20260603
libtpu: 0.0.44.dev20260713+nightly
codegen_flags: <defaults>
</compile_context>

<pallas_src>
import jax
import jax.numpy as jnp
from jax import lax
from jax.experimental import pallas as pl
from jax.experimental.pallas import tpu as pltpu
from jax.experimental.pallas import tpu_sc as plsc

SEQ = 8192
E = 64
K = 8
SCALE = 16.0
CAP = float(E) / float(SEQ * SEQ * K)

NC = 2
NS = 16
L = 16
NW = NC * NS
ROWS_PER_W = SEQ // NW
NV = E // L
NB = 4


def _gating_body(x_hbm2, wout_hbm2, idx_hbm2, histp_hbm, colp_hbm,
                 x_v, wout_v, idx_v, hist_v, col_v):
    c = lax.axis_index("c")
    s = lax.axis_index("s")
    wid = s * NC + c
    base = wid * ROWS_PER_W

    pltpu.sync_copy(x_hbm2.at[pl.ds(base, ROWS_PER_W)], x_v)

    iota = lax.iota(jnp.int32, L)
    mask8 = iota < K
    ones16 = jnp.ones((L,), jnp.float32)
    perm8 = jnp.where(iota >= K, iota - K, iota)
    row_off = iota >> 3
    col_idx = iota & 7
    lane0 = jnp.zeros((L,), jnp.int32)

    zeros16 = jnp.zeros((L,), jnp.float32)
    for b in range(NB):
        for cc in range(NV):
            hist_v[b, pl.ds(cc * L, L)] = zeros16

    def allreduce(v, op):
        for sh in (8, 4, 2, 1):
            v = op(v, v.at[iota ^ sh].get(mode="promise_in_bounds"))
        return v

    def merge(ka, va, kb, vb):
        bk = kb.at[perm8].get(mode="promise_in_bounds")
        bv = vb.at[perm8].get(mode="promise_in_bounds")
        mk = jnp.where(mask8, ka, bk)
        mv = jnp.where(mask8, va, bv)
        return plsc.sort_key_val(mk, mv, descending=True)

    def one_row(r, cols):
        v = [x_v[r, pl.ds(cc * L, L)] for cc in range(NV)]
        sk, sv = [], []
        for cc in range(NV):
            k2, v2 = plsc.sort_key_val(v[cc], iota + cc * L, descending=True)
            sk.append(k2)
            sv.append(v2)
        k01, v01 = merge(sk[0], sv[0], sk[1], sv[1])
        k23, v23 = merge(sk[2], sv[2], sk[3], sv[3])
        kf, vf = merge(k01, v01, k23, v23)
        m = kf.at[lane0].get(mode="promise_in_bounds")
        e = [jnp.exp(vv - m) for vv in v]
        inv = 1.0 / allreduce(e[0] + e[1] + e[2] + e[3], jnp.add)
        cols = tuple(cols[cc] + e[cc] * inv for cc in range(NV))
        w = jnp.exp(kf - m) * (inv * SCALE)
        return w, vf, cols

    def pair_body(j, cols):
        w0, v0, cols = one_row(2 * j, cols)
        w1, v1, cols = one_row(2 * j + 1, cols)
        wp = jnp.where(mask8, w0, w1.at[perm8].get(mode="promise_in_bounds"))
        vp = jnp.where(mask8, v0, v1.at[perm8].get(mode="promise_in_bounds"))
        row_idx = row_off + 2 * j
        plsc.store_scatter(wout_v, [col_idx, row_idx], wp)
        plsc.store_scatter(idx_v, [col_idx, row_idx], vp)
        return cols

    cols = plsc.parallel_loop(
        0, ROWS_PER_W // 2, unroll=1,
        carry=(zeros16, zeros16, zeros16, zeros16))(pair_body)
    for cc in range(NV):
        col_v[pl.ds(cc * L, L)] = cols[cc]

    def hist_body(q, carry):
        for b in range(NB):
            vp = plsc.load_gather(idx_v,
                                  [col_idx, row_off + 2 * (NB * q + b)])
            plsc.addupdate_scatter(hist_v.at[b], [vp], ones16)
        return carry

    lax.fori_loop(0, ROWS_PER_W // (2 * NB), hist_body, 0)
    for cc in range(NV):
        sl = pl.ds(cc * L, L)
        hist_v[0, sl] = ((hist_v[0, sl] + hist_v[1, sl])
                         + (hist_v[2, sl] + hist_v[3, sl]))

    pltpu.sync_copy(wout_v, wout_hbm2.at[:, pl.ds(base, ROWS_PER_W)])
    pltpu.sync_copy(idx_v, idx_hbm2.at[:, pl.ds(base, ROWS_PER_W)])
    pltpu.sync_copy(hist_v.at[0], histp_hbm.at[wid])
    pltpu.sync_copy(col_v, colp_hbm.at[wid])


_gating = pl.kernel(
    _gating_body,
    out_type=[
        jax.ShapeDtypeStruct((K, SEQ), jnp.float32),
        jax.ShapeDtypeStruct((K, SEQ), jnp.int32),
        jax.ShapeDtypeStruct((NW, E), jnp.float32),
        jax.ShapeDtypeStruct((NW, E), jnp.float32),
    ],
    mesh=plsc.VectorSubcoreMesh(core_axis_name="c", subcore_axis_name="s"),
    compiler_params=pltpu.CompilerParams(needs_layout_passes=False,
                                         use_tc_tiling_on_sc=True),
    scratch_types=[
        pltpu.VMEM((ROWS_PER_W, E), jnp.float32),
        pltpu.VMEM((K, ROWS_PER_W), jnp.float32),
        pltpu.VMEM((K, ROWS_PER_W), jnp.int32),
        pltpu.VMEM((NB, E), jnp.float32),
        pltpu.VMEM((E,), jnp.float32),
    ],
)


def _loss_body(hp_ref, cp_ref, o_ref):
    hist = jnp.sum(hp_ref[...], axis=0)
    col = jnp.sum(cp_ref[...], axis=0)
    o_ref[0] = CAP * jnp.sum(hist * col)


_loss = pl.pallas_call(
    _loss_body,
    out_shape=jax.ShapeDtypeStruct((1,), jnp.float32),
    in_specs=[pl.BlockSpec(memory_space=pltpu.VMEM),
              pl.BlockSpec(memory_space=pltpu.VMEM)],
    out_specs=pl.BlockSpec(memory_space=pltpu.SMEM),
)


def kernel(input):
    x = input.astype(jnp.float32)
    wout_t, idx_t, histp, colp = _gating(x)
    loss = _loss(histp, colp)
    return (wout_t.T, loss, idx_t.T)

# --- scband reference (transcript-rebuilt; emitter-appended) ---
"""Pipeline reference for scband-dropless-fused-gating-50019189129736 (READ-ONLY COPY).

The authoritative reference and input builder live on the scoring server;
editing this copy changes nothing except your own understanding.
"""

import jax, jax.numpy as jnp
import numpy as np

SEQ_LEN = 8192
N_EXPERTS = 64
TOP_K = 8
ROUTED_SCALING_FACTOR = 16.0


def setup_inputs(seed: int = 0) -> dict:
    key = jax.random.key(seed)
    x = jax.random.normal(key, (SEQ_LEN, N_EXPERTS), dtype=jnp.float32)
    return {"input": x}


def reference(input):
    # Fused dropless MoE gating (DeepSeek-style):
    #  1) softmax over router logits -> gates
    #  2) top-k expert selection per token -> topk indices + gate weights
    #  3) weight_out = topk gate values * routed_scaling_factor
    #  4) per-expert assignment histogram (histc)
    #  5) load-balance aux loss:
    #       cap_factor = E / (S * S * K)
    #       loss = cap_factor * sum_e histc[e] * sum_t gates[t, e]
    x = input.astype(jnp.float32)
    gates = jax.nn.softmax(x, axis=-1)  # [S, E]
    topk_vals, topk_idx = jax.lax.top_k(gates, TOP_K)  # [S, K]
    weight_out = topk_vals * ROUTED_SCALING_FACTOR
    histc = jnp.bincount(topk_idx.reshape(-1), length=N_EXPERTS).astype(jnp.float32)  # [E]
    cap_factor = float(N_EXPERTS) / float(SEQ_LEN * SEQ_LEN * TOP_K)
    loss = (cap_factor * jnp.sum(histc * jnp.sum(gates, axis=0))).reshape(1)
    topk_res = topk_idx.astype(jnp.int32)
    return (weight_out, loss, topk_res)

if __name__ == "__main__":
    import jax
    _d = setup_inputs()
    print(jax.jit(kernel)(*tuple(_d.values())))

</pallas_src>

<mosaic_0001>
#map = affine_map<(d0, d1) -> (0, 0)>
module attributes {stable_mosaic.version = 14 : i64} {
  func.func @_gating_body(%arg0: i32, %arg1: i32, %arg2: memref<8192x64xf32, #tpu.memory_space<hbm>>, %arg3: memref<8x8192xf32, #tpu.memory_space<hbm>>, %arg4: memref<8x8192xi32, #tpu.memory_space<hbm>>, %arg5: memref<32x64xf32, #tpu.memory_space<hbm>>, %arg6: memref<32x64xf32, #tpu.memory_space<hbm>>, %arg7: memref<256x64xf32, #tpu.memory_space<vmem>>, %arg8: memref<8x256xf32, #tpu.memory_space<vmem>>, %arg9: memref<8x256xi32, #tpu.memory_space<vmem>>, %arg10: memref<4x64xf32, #tpu.memory_space<vmem>>, %arg11: memref<64xf32, #tpu.memory_space<vmem>>) attributes {dimension_semantics = [#tpu.dimension_semantics<core_parallel>, #tpu.dimension_semantics<subcore_parallel>], iteration_bounds = array<i64: 2, 16>, scalar_prefetch = 0 : i64, scratch_operands = 5 : i64, tpu.core_type = #tpu.core_type<sc_vector_subcore>, window_params = [{transform_indices = #map}, {transform_indices = #map}, {transform_indices = #map}, {transform_indices = #map}, {transform_indices = #map}]} {
    %mul3A = arith.constant 2 : i32
    %mul3A_0 = arith.muli %arg1, %mul3A : i32
    %add3A = arith.addi %mul3A_0, %arg0 : i32
    %mul3A_1 = arith.constant 256 : i32
    %mul3A_2 = arith.muli %add3A, %mul3A_1 : i32
    "tpu.region"() ({
      %run_scoped3A_188 = tpu.sem_alloc : memref<!tpu.dma_semaphore, #tpu.memory_space<semaphore_mem>>
      %dma_start3A = arith.constant 0 : i32
      %dma_start3A_189 = tpu.memref_slice %arg2[%mul3A_2, %dma_start3A] : memref<8192x64xf32, #tpu.memory_space<hbm>> -> memref<256x64xf32, #tpu.memory_space<hbm>>
      %dma_start3A_190 = arith.constant 0 : i32
      %dma_start3A_191 = tpu.memref_slice %arg2[%mul3A_2, %dma_start3A_190] : memref<8192x64xf32, #tpu.memory_space<hbm>> -> memref<256x64xf32, #tpu.memory_space<hbm>>
      tpu.enqueue_dma source(%dma_start3A_191 : memref<256x64xf32, #tpu.memory_space<hbm>>) target(%arg7 : memref<256x64xf32, #tpu.memory_space<vmem>>) target_semaphore(%run_scoped3A_188 : memref<!tpu.dma_semaphore, #tpu.memory_space<semaphore_mem>>)
      %dma_wait3A = arith.constant 0 : i32
      %dma_wait3A_192 = tpu.memref_slice %arg2[%mul3A_2, %dma_wait3A] : memref<8192x64xf32, #tpu.memory_space<hbm>> -> memref<256x64xf32, #tpu.memory_space<hbm>>
      %dma_wait3A_193 = arith.constant 0 : i32
      %dma_wait3A_194 = tpu.memref_slice %arg2[%mul3A_2, %dma_wait3A_193] : memref<8192x64xf32, #tpu.memory_space<hbm>> -> memref<256x64xf32, #tpu.memory_space<hbm>>
      tpu.wait_dma2 semaphore(%run_scoped3A_188 : memref<!tpu.dma_semaphore, #tpu.memory_space<semaphore_mem>>) src(%dma_wait3A_194 : memref<256x64xf32, #tpu.memory_space<hbm>>) dst(%arg7 : memref<256x64xf32, #tpu.memory_space<vmem>>)
      tpu.yield
    }) : () -> ()
    %iota3A = tpu.iota {dimensions = array<i32: 0>} : vector<16xi32>
    %lt3A = arith.constant 8 : i32
    %lt3A_3 = vector.broadcast %lt3A : i32 to vector<16xi32>
    %lt3A_4 = arith.cmpi slt, %iota3A, %lt3A_3 : vector<16xi32>
    %broadcast_in_dim3A = arith.constant 1.000000e+00 : f32
    %broadcast_in_dim3A_5 = vector.broadcast %broadcast_in_dim3A : f32 to vector<16xf32>
    %ge3A = arith.constant 8 : i32
    %ge3A_6 = vector.broadcast %ge3A : i32 to vector<16xi32>
    %ge3A_7 = arith.cmpi sge, %iota3A, %ge3A_6 : vector<16xi32>
    %sub3A = arith.constant 8 : i32
    %sub3A_8 = vector.broadcast %sub3A : i32 to vector<16xi32>
    %sub3A_9 = arith.subi %iota3A, %sub3A_8 : vector<16xi32>
    %select_n3A = arith.select %ge3A_7, %sub3A_9, %iota3A : vector<16xi1>, vector<16xi32>
    %shift_right_arithmetic3A = arith.constant 3 : i32
    %shift_right_arithmetic3A_10 = vector.broadcast %shift_right_arithmetic3A : i32 to vector<16xi32>
    %shift_right_arithmetic3A_11 = arith.shrsi %iota3A, %shift_right_arithmetic3A_10 : vector<16xi32>
    %and3A = arith.constant 7 : i32
    %and3A_12 = vector.broadcast %and3A : i32 to vector<16xi32>
    %and3A_13 = arith.andi %iota3A, %and3A_12 : vector<16xi32>
    %broadcast_in_dim3A_14 = arith.constant 0 : i32
    %broadcast_in_dim3A_15 = vector.broadcast %broadcast_in_dim3A_14 : i32 to vector<16xi32>
    %broadcast_in_dim3A_16 = arith.constant 0.000000e+00 : f32
    %broadcast_in_dim3A_17 = vector.broadcast %broadcast_in_dim3A_16 : f32 to vector<16xf32>
    %swap3A = arith.constant 0 : i32
    %swap3A_18 = arith.index_cast %swap3A : i32 to index
    %swap3A_19 = arith.constant 0 : index
    %swap3A_20 = tpu.vector_load %arg10[%swap3A_18, %swap3A_19] {strides = array<i32>} : memref<4x64xf32, #tpu.memory_space<vmem>>, vector<16xf32>,
    tpu.vector_store %arg10[%swap3A_18, %swap3A_19], %broadcast_in_dim3A_17 {strides = array<i32>} : memref<4x64xf32, #tpu.memory_space<vmem>>, vector<16xf32>,
    %swap3A_21 = arith.constant 0 : i32
    %swap3A_22 = arith.index_cast %swap3A_21 : i32 to index
    %swap3A_23 = arith.constant 16 : index
    %swap3A_24 = tpu.vector_load %arg10[%swap3A_22, %swap3A_23] {strides = array<i32>} : memref<4x64xf32, #tpu.memory_space<vmem>>, vector<16xf32>,
    tpu.vector_store %arg10[%swap3A_22, %swap3A_23], %broadcast_in_dim3A_17 {strides = array<i32>} : memref<4x64xf32, #tpu.memory_space<vmem>>, vector<16xf32>,
    %swap3A_25 = arith.constant 0 : i32
    %swap3A_26 = arith.index_cast %swap3A_25 : i32 to index
    %swap3A_27 = arith.constant 32 : index
    %swap3A_28 = tpu.vector_load %arg10[%swap3A_26, %swap3A_27] {strides = array<i32>} : memref<4x64xf32, #tpu.memory_space<vmem>>, vector<16xf32>,
    tpu.vector_store %arg10[%swap3A_26, %swap3A_27], %broadcast_in_dim3A_17 {strides = array<i32>} : memref<4x64xf32, #tpu.memory_space<vmem>>, vector<16xf32>,
    %swap3A_29 = arith.constant 0 : i32
    %swap3A_30 = arith.index_cast %swap3A_29 : i32 to index
    %swap3A_31 = arith.constant 48 : index
    %swap3A_32 = tpu.vector_load %arg10[%swap3A_30, %swap3A_31] {strides = array<i32>} : memref<4x64xf32, #tpu.memory_space<vmem>>, vector<16xf32>,
    tpu.vector_store %arg10[%swap3A_30, %swap3A_31], %broadcast_in_dim3A_17 {strides = array<i32>} : memref<4x64xf32, #tpu.memory_space<vmem>>, vector<16xf32>,
    %swap3A_33 = arith.constant 1 : i32
    %swap3A_34 = arith.index_cast %swap3A_33 : i32 to index
    %swap3A_35 = arith.constant 0 : index
    %swap3A_36 = tpu.vector_load %arg10[%swap3A_34, %swap3A_35] {strides = array<i32>} : memref<4x64xf32, #tpu.memory_space<vmem>>, vector<16xf32>,
    tpu.vector_store %arg10[%swap3A_34, %swap3A_35], %broadcast_in_dim3A_17 {strides = array<i32>} : memref<4x64xf32, #tpu.memory_space<vmem>>, vector<16xf32>,
    %swap3A_37 = arith.constant 1 : i32
    %swap3A_38 = arith.index_cast %swap3A_37 : i32 to index
    %swap3A_39 = arith.constant 16 : index
    %swap3A_40 = tpu.vector_load %arg10[%swap3A_38, %swap3A_39] {strides = array<i32>} : memref<4x64xf32, #tpu.memory_space<vmem>>, vector<16xf32>,
    tpu.vector_store %arg10[%swap3A_38, %swap3A_39], %broadcast_in_dim3A_17 {strides = array<i32>} : memref<4x64xf32, #tpu.memory_space<vmem>>, vector<16xf32>,
    %swap3A_41 = arith.constant 1 : i32
    %swap3A_42 = arith.index_cast %swap3A_41 : i32 to index
    %swap3A_43 = arith.constant 32 : index
    %swap3A_44 = tpu.vector_load %arg10[%swap3A_42, %swap3A_43] {strides = array<i32>} : memref<4x64xf32, #tpu.memory_space<vmem>>, vector<16xf32>,
    tpu.vector_store %arg10[%swap3A_42, %swap3A_43], %broadcast_in_dim3A_17 {strides = array<i32>} : memref<4x64xf32, #tpu.memory_space<vmem>>, vector<16xf32>,
    %swap3A_45 = arith.constant 1 : i32
    %swap3A_46 = arith.index_cast %swap3A_45 : i32 to index
    %swap3A_47 = arith.constant 48 : index
    %swap3A_48 = tpu.vector_load %arg10[%swap3A_46, %swap3A_47] {strides = array<i32>} : memref<4x64xf32, #tpu.memory_space<vmem>>, vector<16xf32>,
    tpu.vector_store %arg10[%swap3A_46, %swap3A_47], %broadcast_in_dim3A_17 {strides = array<i32>} : memref<4x64xf32, #tpu.memory_space<vmem>>, vector<16xf32>,
    %swap3A_49 = arith.constant 2 : i32
    %swap3A_50 = arith.index_cast %swap3A_49 : i32 to index
    %swap3A_51 = arith.constant 0 : index
    %swap3A_52 = tpu.vector_load %arg10[%swap3A_50, %swap3A_51] {strides = array<i32>} : memref<4x64xf32, #tpu.memory_space<vmem>>, vector<16xf32>,
    tpu.vector_store %arg10[%swap3A_50, %swap3A_51], %broadcast_in_dim3A_17 {strides = array<i32>} : memref<4x64xf32, #tpu.memory_space<vmem>>, vector<16xf32>,
    %swap3A_53 = arith.constant 2 : i32
    %swap3A_54 = arith.index_cast %swap3A_53 : i32 to index
    %swap3A_55 = arith.constant 16 : index
    %swap3A_56 = tpu.vector_load %arg10[%swap3A_54, %swap3A_55] {strides = array<i32>} : memref<4x64xf32, #tpu.memory_space<vmem>>, vector<16xf32>,
    tpu.vector_store %arg10[%swap3A_54, %swap3A_55], %broadcast_in_dim3A_17 {strides = array<i32>} : memref<4x64xf32, #tpu.memory_space<vmem>>, vector<16xf32>,
    %swap3A_57 = arith.constant 2 : i32
    %swap3A_58 = arith.index_cast %swap3A_57 : i32 to index
    %swap3A_59 = arith.constant 32 : index
    %swap3A_60 = tpu.vector_load %arg10[%swap3A_58, %swap3A_59] {strides = array<i32>} : memref<4x64xf32, #tpu.memory_space<vmem>>, vector<16xf32>,
    tpu.vector_store %arg10[%swap3A_58, %swap3A_59], %broadcast_in_dim3A_17 {strides = array<i32>} : memref<4x64xf32, #tpu.memory_space<vmem>>, vector<16xf32>,
    %swap3A_61 = arith.constant 2 : i32
    %swap3A_62 = arith.index_cast %swap3A_61 : i32 to index
    %swap3A_63 = arith.constant 48 : index
    %swap3A_64 = tpu.vector_load %arg10[%swap3A_62, %swap3A_63] {strides = array<i32>} : memref<4x64xf32, #tpu.memory_space<vmem>>, vector<16xf32>,
    tpu.vector_store %arg10[%swap3A_62, %swap3A_63], %broadcast_in_dim3A_17 {strides = array<i32>} : memref<4x64xf32, #tpu.memory_space<vmem>>, vector<16xf32>,
    %swap3A_65 = arith.constant 3 : i32
    %swap3A_66 = arith.index_cast %swap3A_65 : i32 to index
    %swap3A_67 = arith.constant 0 : index
    %swap3A_68 = tpu.vector_load %arg10[%swap3A_66, %swap3A_67] {strides = array<i32>} : memref<4x64xf32, #tpu.memory_space<vmem>>, vector<16xf32>,
    tpu.vector_store %arg10[%swap3A_66, %swap3A_67], %broadcast_in_dim3A_17 {strides = array<i32>} : memref<4x64xf32, #tpu.memory_space<vmem>>, vector<16xf32>,
    %swap3A_69 = arith.constant 3 : i32
    %swap3A_70 = arith.index_cast %swap3A_69 : i32 to index
    %swap3A_71 = arith.constant 16 : index
    %swap3A_72 = tpu.vector_load %arg10[%swap3A_70, %swap3A_71] {strides = array<i32>} : memref<4x64xf32, #tpu.memory_space<vmem>>, vector<16xf32>,
    tpu.vector_store %arg10[%swap3A_70, %swap3A_71], %broadcast_in_dim3A_17 {strides = array<i32>} : memref<4x64xf32, #tpu.memory_space<vmem>>, vector<16xf32>,
    %swap3A_73 = arith.constant 3 : i32
    %swap3A_74 = arith.index_cast %swap3A_73 : i32 to index
    %swap3A_75 = arith.constant 32 : index
    %swap3A_76 = tpu.vector_load %arg10[%swap3A_74, %swap3A_75] {strides = array<i32>} : memref<4x64xf32, #tpu.memory_space<vmem>>, vector<16xf32>,
    tpu.vector_store %arg10[%swap3A_74, %swap3A_75], %broadcast_in_dim3A_17 {strides = array<i32>} : memref<4x64xf32, #tpu.memory_space<vmem>>, vector<16xf32>,
    %swap3A_77 = arith.constant 3 : i32
    %swap3A_78 = arith.index_cast %swap3A_77 : i32 to index
    %swap3A_79 = arith.constant 48 : index
    %swap3A_80 = tpu.vector_load %arg10[%swap3A_78, %swap3A_79] {strides = array<i32>} : memref<4x64xf32, #tpu.memory_space<vmem>>, vector<16xf32>,
    tpu.vector_store %arg10[%swap3A_78, %swap3A_79], %broadcast_in_dim3A_17 {strides = array<i32>} : memref<4x64xf32, #tpu.memory_space<vmem>>, vector<16xf32>,
    %parallel_loop3A = arith.constant 0 : i32
    %parallel_loop3A_81 = arith.constant 128 : i32
    %parallel_loop3A_82 = arith.constant 1 : i32
    %parallel_loop3A_83:4 = scf.for %parallel_loop3A_188 = %parallel_loop3A to %parallel_loop3A_81 step %parallel_loop3A_82 iter_args(%parallel_loop3A_189 = %broadcast_in_dim3A_17, %parallel_loop3A_190 = %broadcast_in_dim3A_17, %parallel_loop3A_191 = %broadcast_in_dim3A_17, %parallel_loop3A_192 = %broadcast_in_dim3A_17) -> (vector<16xf32>, vector<16xf32>, vector<16xf32>, vector<16xf32>)  : i32 {
      %parallel_loop3A_193 = arith.constant 2 : i32
      %parallel_loop3A_194 = arith.muli %parallel_loop3A_193, %parallel_loop3A_188 : i32
      %parallel_loop3A_195 = arith.index_cast %parallel_loop3A_194 : i32 to index
      %parallel_loop3A_196 = arith.constant 0 : index
      %parallel_loop3A_197 = tpu.vector_load %arg7[%parallel_loop3A_195, %parallel_loop3A_196] {strides = array<i32>} : memref<256x64xf32, #tpu.memory_space<vmem>>, vector<16xf32>,
      %parallel_loop3A_198 = arith.index_cast %parallel_loop3A_194 : i32 to index
      %parallel_loop3A_199 = arith.constant 16 : index
      %parallel_loop3A_200 = tpu.vector_load %arg7[%parallel_loop3A_198, %parallel_loop3A_199] {strides = array<i32>} : memref<256x64xf32, #tpu.memory_space<vmem>>, vector<16xf32>,
      %parallel_loop3A_201 = arith.index_cast %parallel_loop3A_194 : i32 to index
      %parallel_loop3A_202 = arith.constant 32 : index
      %parallel_loop3A_203 = tpu.vector_load %arg7[%parallel_loop3A_201, %parallel_loop3A_202] {strides = array<i32>} : memref<256x64xf32, #tpu.memory_space<vmem>>, vector<16xf32>,
      %parallel_loop3A_204 = arith.index_cast %parallel_loop3A_194 : i32 to index
      %parallel_loop3A_205 = arith.constant 48 : index
      %parallel_loop3A_206 = tpu.vector_load %arg7[%parallel_loop3A_204, %parallel_loop3A_205] {strides = array<i32>} : memref<256x64xf32, #tpu.memory_space<vmem>>, vector<16xf32>,
      %parallel_loop3A_207 = arith.constant 0 : i32
      %parallel_loop3A_208 = vector.broadcast %parallel_loop3A_207 : i32 to vector<16xi32>
      %parallel_loop3A_209 = arith.addi %iota3A, %parallel_loop3A_208 : vector<16xi32>
      %parallel_loop3A_210 = arith.constant dense<true> : vector<16xi1>
      %parallel_loop3A_211, %parallel_loop3A_212, %parallel_loop3A_213 = tpu.sort %parallel_loop3A_197, %parallel_loop3A_209 masked %parallel_loop3A_210 {descending = true} : (vector<16xf32>, vector<16xi32>, vector<16xi1>) -> (vector<16xi1>, vector<16xf32>, vector<16xi32>)
      %parallel_loop3A_214 = arith.constant 16 : i32
      %parallel_loop3A_215 = vector.broadcast %parallel_loop3A_214 : i32 to vector<16xi32>
      %parallel_loop3A_216 = arith.addi %iota3A, %parallel_loop3A_215 : vector<16xi32>
      %parallel_loop3A_217 = arith.constant dense<true> : vector<16xi1>
      %parallel_loop3A_218, %parallel_loop3A_219, %parallel_loop3A_220 = tpu.sort %parallel_loop3A_200, %parallel_loop3A_216 masked %parallel_loop3A_217 {descending = true} : (vector<16xf32>, vector<16xi32>, vector<16xi1>) -> (vector<16xi1>, vector<16xf32>, vector<16xi32>)
      %parallel_loop3A_221 = arith.constant 32 : i32
      %parallel_loop3A_222 = vector.broadcast %parallel_loop3A_221 : i32 to vector<16xi32>
      %parallel_loop3A_223 = arith.addi %iota3A, %parallel_loop3A_222 : vector<16xi32>
      %parallel_loop3A_224 = arith.constant dense<true> : vector<16xi1>
      %parallel_loop3A_225, %parallel_loop3A_226, %parallel_loop3A_227 = tpu.sort %parallel_loop3A_203, %parallel_loop3A_223 masked %parallel_loop3A_224 {descending = true} : (vector<16xf32>, vector<16xi32>, vector<16xi1>) -> (vector<16xi1>, vector<16xf32>, vector<16xi32>)
      %parallel_loop3A_228 = arith.constant 48 : i32
      %parallel_loop3A_229 = vector.broadcast %parallel_loop3A_228 : i32 to vector<16xi32>
      %parallel_loop3A_230 = arith.addi %iota3A, %parallel_loop3A_229 : vector<16xi32>
      %parallel_loop3A_231 = arith.constant dense<true> : vector<16xi1>
      %parallel_loop3A_232, %parallel_loop3A_233, %parallel_loop3A_234 = tpu.sort %parallel_loop3A_206, %parallel_loop3A_230 masked %parallel_loop3A_231 {descending = true} : (vector<16xf32>, vector<16xi32>, vector<16xi1>) -> (vector<16xi1>, vector<16xf32>, vector<16xi32>)
      %parallel_loop3A_235 = arith.constant 0 : i32
      %parallel_loop3A_236 = vector.broadcast %parallel_loop3A_235 : i32 to vector<16xi32>
      %parallel_loop3A_237 = arith.cmpi slt, %select_n3A, %parallel_loop3A_236 : vector<16xi32>
      %parallel_loop3A_238 = arith.constant 16 : i32
      %parallel_loop3A_239 = vector.broadcast %parallel_loop3A_238 : i32 to vector<16xi32>
      %parallel_loop3A_240 = arith.addi %select_n3A, %parallel_loop3A_239 : vector<16xi32>
      %parallel_loop3A_241 = arith.select %parallel_loop3A_237, %parallel_loop3A_240, %select_n3A : vector<16xi1>, vector<16xi32>
      %parallel_loop3A_242 = vector.shape_cast %parallel_loop3A_241 : vector<16xi32> to vector<16x1xi32>
      %parallel_loop3A_243 = vector.shape_cast %parallel_loop3A_242 : vector<16x1xi32> to vector<16xi32>
      %parallel_loop3A_244 = tpu.dynamic_gather %parallel_loop3A_219[%parallel_loop3A_243] in [0] : vector<16xf32>, vector<16xi32> -> vector<16xf32>
      %parallel_loop3A_245 = arith.constant 0 : i32
      %parallel_loop3A_246 = vector.broadcast %parallel_loop3A_245 : i32 to vector<16xi32>
      %parallel_loop3A_247 = arith.cmpi slt, %select_n3A, %parallel_loop3A_246 : vector<16xi32>
      %parallel_loop3A_248 = arith.constant 16 : i32
      %parallel_loop3A_249 = vector.broadcast %parallel_loop3A_248 : i32 to vector<16xi32>
      %parallel_loop3A_250 = arith.addi %select_n3A, %parallel_loop3A_249 : vector<16xi32>
      %parallel_loop3A_251 = arith.select %parallel_loop3A_247, %parallel_loop3A_250, %select_n3A : vector<16xi1>, vector<16xi32>
      %parallel_loop3A_252 = vector.shape_cast %parallel_loop3A_251 : vector<16xi32> to vector<16x1xi32>
      %parallel_loop3A_253 = vector.shape_cast %parallel_loop3A_252 : vector<16x1xi32> to vector<16xi32>
      %parallel_loop3A_254 = tpu.dynamic_gather %parallel_loop3A_220[%parallel_loop3A_253] in [0] : vector<16xi32>, vector<16xi32> -> vector<16xi32>
      %parallel_loop3A_255 = arith.select %lt3A_4, %parallel_loop3A_212, %parallel_loop3A_244 : vector<16xi1>, vector<16xf32>
      %parallel_loop3A_256 = arith.select %lt3A_4, %parallel_loop3A_213, %parallel_loop3A_254 : vector<16xi1>, vector<16xi32>
      %parallel_loop3A_257 = arith.constant dense<true> : vector<16xi1>
      %parallel_loop3A_258, %parallel_loop3A_259, %parallel_loop3A_260 = tpu.sort %parallel_loop3A_255, %parallel_loop3A_256 masked %parallel_loop3A_257 {descending = true} : (vector<16xf32>, vector<16xi32>, vector<16xi1>) -> (vector<16xi1>, vector<16xf32>, vector<16xi32>)
      %parallel_loop3A_261 = arith.constant 0 : i32
      %parallel_loop3A_262 = vector.broadcast %parallel_loop3A_261 : i32 to vector<16xi32>
      %parallel_loop3A_263 = arith.cmpi slt, %select_n3A, %parallel_loop3A_262 : vector<16xi32>
      %parallel_loop3A_264 = arith.constant 16 : i32
      %parallel_loop3A_265 = vector.broadcast %parallel_loop3A_264 : i32 to vector<16xi32>
      %parallel_loop3A_266 = arith.addi %select_n3A, %parallel_loop3A_265 : vector<16xi32>
      %parallel_loop3A_267 = arith.select %parallel_loop3A_263, %parallel_loop3A_266, %select_n3A : vector<16xi1>, vector<16xi32>
      %parallel_loop3A_268 = vector.shape_cast %parallel_loop3A_267 : vector<16xi32> to vector<16x1xi32>
      %parallel_loop3A_269 = vector.shape_cast %parallel_loop3A_268 : vector<16x1xi32> to vector<16xi32>
      %parallel_loop3A_270 = tpu.dynamic_gather %parallel_loop3A_233[%parallel_loop3A_269] in [0] : vector<16xf32>, vector<16xi32> -> vector<16xf32>
      %parallel_loop3A_271 = arith.constant 0 : i32
      %parallel_loop3A_272 = vector.broadcast %parallel_loop3A_271 : i32 to vector<16xi32>
      %parallel_loop3A_273 = arith.cmpi slt, %select_n3A, %parallel_loop3A_272 : vector<16xi32>
      %parallel_loop3A_274 = arith.constant 16 : i32
      %parallel_loop3A_275 = vector.broadcast %parallel_loop3A_274 : i32 to vector<16xi32>
      %parallel_loop3A_276 = arith.addi %select_n3A, %parallel_loop3A_275 : vector<16xi32>
      %parallel_loop3A_277 = arith.select %parallel_loop3A_273, %parallel_loop3A_276, %select_n3A : vector<16xi1>, vector<16xi32>
      %parallel_loop3A_278 = vector.shape_cast %parallel_loop3A_277 : vector<16xi32> to vector<16x1xi32>
      %parallel_loop3A_279 = vector.shape_cast %parallel_loop3A_278 : vector<16x1xi32> to vector<16xi32>
      %parallel_loop3A_280 = tpu.dynamic_gather %parallel_loop3A_234[%parallel_loop3A_279] in [0] : vector<16xi32>, vector<16xi32> -> vector<16xi32>
      %parallel_loop3A_281 = arith.select %lt3A_4, %parallel_loop3A_226, %parallel_loop3A_270 : vector<16xi1>, vector<16xf32>
      %parallel_loop3A_282 = arith.select %lt3A_4, %parallel_loop3A_227, %parallel_loop3A_280 : vector<16xi1>, vector<16xi32>
      %parallel_loop3A_283 = arith.constant dense<true> : vector<16xi1>
      %parallel_loop3A_284, %parallel_loop3A_285, %parallel_loop3A_286 = tpu.sort %parallel_loop3A_281, %parallel_loop3A_282 masked %parallel_loop3A_283 {descending = true} : (vector<16xf32>, vector<16xi32>, vector<16xi1>) -> (vector<16xi1>, vector<16xf32>, vector<16xi32>)
      %parallel_loop3A_287 = arith.constant 0 : i32
      %parallel_loop3A_288 = vector.broadcast %parallel_loop3A_287 : i32 to vector<16xi32>
      %parallel_loop3A_289 = arith.cmpi slt, %select_n3A, %parallel_loop3A_288 : vector<16xi32>
      %parallel_loop3A_290 = arith.constant 16 : i32
      %parallel_loop3A_291 = vector.broadcast %parallel_loop3A_290 : i32 to vector<16xi32>
      %parallel_loop3A_292 = arith.addi %select_n3A, %parallel_loop3A_291 : vector<16xi32>
      %parallel_loop3A_293 = arith.select %parallel_loop3A_289, %parallel_loop3A_292, %select_n3A : vector<16xi1>, vector<16xi32>
      %parallel_loop3A_294 = vector.shape_cast %parallel_loop3A_293 : vector<16xi32> to vector<16x1xi32>
      %parallel_loop3A_295 = vector.shape_cast %parallel_loop3A_294 : vector<16x1xi32> to vector<16xi32>
      %parallel_loop3A_296 = tpu.dynamic_gather %parallel_loop3A_285[%parallel_loop3A_295] in [0] : vector<16xf32>, vector<16xi32> -> vector<16xf32>
      %parallel_loop3A_297 = arith.constant 0 : i32
      %parallel_loop3A_298 = vector.broadcast %parallel_loop3A_297 : i32 to vector<16xi32>
      %parallel_loop3A_299 = arith.cmpi slt, %select_n3A, %parallel_loop3A_298 : vector<16xi32>
      %parallel_loop3A_300 = arith.constant 16 : i32
      %parallel_loop3A_301 = vector.broadcast %parallel_loop3A_300 : i32 to vector<16xi32>
      %parallel_loop3A_302 = arith.addi %select_n3A, %parallel_loop3A_301 : vector<16xi32>
      %parallel_loop3A_303 = arith.select %parallel_loop3A_299, %parallel_loop3A_302, %select_n3A : vector<16xi1>, vector<16xi32>
      %parallel_loop3A_304 = vector.shape_cast %parallel_loop3A_303 : vector<16xi32> to vector<16x1xi32>
      %parallel_loop3A_305 = vector.shape_cast %parallel_loop3A_304 : vector<16x1xi32> to vector<16xi32>
      %parallel_loop3A_306 = tpu.dynamic_gather %parallel_loop3A_286[%parallel_loop3A_305] in [0] : vector<16xi32>, vector<16xi32> -> vector<16xi32>
      %parallel_loop3A_307 = arith.select %lt3A_4, %parallel_loop3A_259, %parallel_loop3A_296 : vector<16xi1>, vector<16xf32>
      %parallel_loop3A_308 = arith.select %lt3A_4, %parallel_loop3A_260, %parallel_loop3A_306 : vector<16xi1>, vector<16xi32>
      %parallel_loop3A_309 = arith.constant dense<true> : vector<16xi1>
      %parallel_loop3A_310, %parallel_loop3A_311, %parallel_loop3A_312 = tpu.sort %parallel_loop3A_307, %parallel_loop3A_308 masked %parallel_loop3A_309 {descending = true} : (vector<16xf32>, vector<16xi32>, vector<16xi1>) -> (vector<16xi1>, vector<16xf32>, vector<16xi32>)
      %parallel_loop3A_313 = arith.constant 0 : i32
      %parallel_loop3A_314 = vector.broadcast %parallel_loop3A_313 : i32 to vector<16xi32>
      %parallel_loop3A_315 = arith.cmpi slt, %broadcast_in_dim3A_15, %parallel_loop3A_314 : vector<16xi32>
      %parallel_loop3A_316 = arith.constant 16 : i32
      %parallel_loop3A_317 = vector.broadcast %parallel_loop3A_316 : i32 to vector<16xi32>
      %parallel_loop3A_318 = arith.addi %broadcast_in_dim3A_15, %parallel_loop3A_317 : vector<16xi32>
      %parallel_loop3A_319 = arith.select %parallel_loop3A_315, %parallel_loop3A_318, %broadcast_in_dim3A_15 : vector<16xi1>, vector<16xi32>
      %parallel_loop3A_320 = vector.shape_cast %parallel_loop3A_319 : vector<16xi32> to vector<16x1xi32>
      %parallel_loop3A_321 = vector.shape_cast %parallel_loop3A_320 : vector<16x1xi32> to vector<16xi32>
      %parallel_loop3A_322 = tpu.dynamic_gather %parallel_loop3A_311[%parallel_loop3A_321] in [0] : vector<16xf32>, vector<16xi32> -> vector<16xf32>
      %parallel_loop3A_323 = arith.subf %parallel_loop3A_197, %parallel_loop3A_322 : vector<16xf32>
      %parallel_loop3A_324 = math.exp %parallel_loop3A_323 : vector<16xf32>
      %parallel_loop3A_325 = arith.subf %parallel_loop3A_200, %parallel_loop3A_322 : vector<16xf32>
      %parallel_loop3A_326 = math.exp %parallel_loop3A_325 : vector<16xf32>
      %parallel_loop3A_327 = arith.subf %parallel_loop3A_203, %parallel_loop3A_322 : vector<16xf32>
      %parallel_loop3A_328 = math.exp %parallel_loop3A_327 : vector<16xf32>
      %parallel_loop3A_329 = arith.subf %parallel_loop3A_206, %parallel_loop3A_322 : vector<16xf32>
      %parallel_loop3A_330 = math.exp %parallel_loop3A_329 : vector<16xf32>
      %parallel_loop3A_331 = arith.addf %parallel_loop3A_324, %parallel_loop3A_326 : vector<16xf32>
      %parallel_loop3A_332 = arith.addf %parallel_loop3A_331, %parallel_loop3A_328 : vector<16xf32>
      %parallel_loop3A_333 = arith.addf %parallel_loop3A_332, %parallel_loop3A_330 : vector<16xf32>
      %parallel_loop3A_334 = arith.constant 8 : i32
      %parallel_loop3A_335 = vector.broadcast %parallel_loop3A_334 : i32 to vector<16xi32>
      %parallel_loop3A_336 = arith.xori %iota3A, %parallel_loop3A_335 : vector<16xi32>
      %parallel_loop3A_337 = arith.constant 0 : i32
      %parallel_loop3A_338 = vector.broadcast %parallel_loop3A_337 : i32 to vector<16xi32>
      %parallel_loop3A_339 = arith.cmpi slt, %parallel_loop3A_336, %parallel_loop3A_338 : vector<16xi32>
      %parallel_loop3A_340 = arith.constant 16 : i32
      %parallel_loop3A_341 = vector.broadcast %parallel_loop3A_340 : i32 to vector<16xi32>
      %parallel_loop3A_342 = arith.addi %parallel_loop3A_336, %parallel_loop3A_341 : vector<16xi32>
      %parallel_loop3A_343 = arith.select %parallel_loop3A_339, %parallel_loop3A_342, %parallel_loop3A_336 : vector<16xi1>, vector<16xi32>
      %parallel_loop3A_344 = vector.shape_cast %parallel_loop3A_343 : vector<16xi32> to vector<16x1xi32>
      %parallel_loop3A_345 = vector.shape_cast %parallel_loop3A_344 : vector<16x1xi32> to vector<16xi32>
      %parallel_loop3A_346 = tpu.dynamic_gather %parallel_loop3A_333[%parallel_loop3A_345] in [0] : vector<16xf32>, vector<16xi32> -> vector<16xf32>
      %parallel_loop3A_347 = arith.addf %parallel_loop3A_333, %parallel_loop3A_346 : vector<16xf32>
      %parallel_loop3A_348 = arith.constant 4 : i32
      %parallel_loop3A_349 = vector.broadcast %parallel_loop3A_348 : i32 to vector<16xi32>
      %parallel_loop3A_350 = arith.xori %iota3A, %parallel_loop3A_349 : vector<16xi32>
      %parallel_loop3A_351 = arith.constant 0 : i32
      %parallel_loop3A_352 = vector.broadcast %parallel_loop3A_351 : i32 to vector<16xi32>
      %parallel_loop3A_353 = arith.cmpi slt, %parallel_loop3A_350, %parallel_loop3A_352 : vector<16xi32>
      %parallel_loop3A_354 = arith.constant 16 : i32
      %parallel_loop3A_355 = vector.broadcast %parallel_loop3A_354 : i32 to vector<16xi32>
      %parallel_loop3A_356 = arith.addi %parallel_loop3A_350, %parallel_loop3A_355 : vector<16xi32>
      %parallel_loop3A_357 = arith.select %parallel_loop3A_353, %parallel_loop3A_356, %parallel_loop3A_350 : vector<16xi1>, vector<16xi32>
      %parallel_loop3A_358 = vector.shape_cast %parallel_loop3A_357 : vector<16xi32> to vector<16x1xi32>
      %parallel_loop3A_359 = vector.shape_cast %parallel_loop3A_358 : vector<16x1xi32> to vector<16xi32>
      %parallel_loop3A_360 = tpu.dynamic_gather %parallel_loop3A_347[%parallel_loop3A_359] in [0] : vector<16xf32>, vector<16xi32> -> vector<16xf32>
      %parallel_loop3A_361 = arith.addf %parallel_loop3A_347, %parallel_loop3A_360 : vector<16xf32>
      %parallel_loop3A_362 = arith.constant 2 : i32
      %parallel_loop3A_363 = vector.broadcast %parallel_loop3A_362 : i32 to vector<16xi32>
      %parallel_loop3A_364 = arith.xori %iota3A, %parallel_loop3A_363 : vector<16xi32>
      %parallel_loop3A_365 = arith.constant 0 : i32
      %parallel_loop3A_366 = vector.broadcast %parallel_loop3A_365 : i32 to vector<16xi32>
      %parallel_loop3A_367 = arith.cmpi slt, %parallel_loop3A_364, %parallel_loop3A_366 : vector<16xi32>
      %parallel_loop3A_368 = arith.constant 16 : i32
      %parallel_loop3A_369 = vector.broadcast %parallel_loop3A_368 : i32 to vector<16xi32>
      %parallel_loop3A_370 = arith.addi %parallel_loop3A_364, %parallel_loop3A_369 : vector<16xi32>
      %parallel_loop3A_371 = arith.select %parallel_loop3A_367, %parallel_loop3A_370, %parallel_loop3A_364 : vector<16xi1>, vector<16xi32>
      %parallel_loop3A_372 = vector.shape_cast %parallel_loop3A_371 : vector<16xi32> to vector<16x1xi32>
      %parallel_loop3A_373 = vector.shape_cast %parallel_loop3A_372 : vector<16x1xi32> to vector<16xi32>
      %parallel_loop3A_374 = tpu.dynamic_gather %parallel_loop3A_361[%parallel_loop3A_373] in [0] : vector<16xf32>, vector<16xi32> -> vector<16xf32>
      %parallel_loop3A_375 = arith.addf %parallel_loop3A_361, %parallel_loop3A_374 : vector<16xf32>
      %parallel_loop3A_376 = arith.constant 1 : i32
      %parallel_loop3A_377 = vector.broadcast %parallel_loop3A_376 : i32 to vector<16xi32>
      %parallel_loop3A_378 = arith.xori %iota3A, %parallel_loop3A_377 : vector<16xi32>
      %parallel_loop3A_379 = arith.constant 0 : i32
      %parallel_loop3A_380 = vector.broadcast %parallel_loop3A_379 : i32 to vector<16xi32>
      %parallel_loop3A_381 = arith.cmpi slt, %parallel_loop3A_378, %parallel_loop3A_380 : vector<16xi32>
      %parallel_loop3A_382 = arith.constant 16 : i32
      %parallel_loop3A_383 = vector.broadcast %parallel_loop3A_382 : i32 to vector<16xi32>
      %parallel_loop3A_384 = arith.addi %parallel_loop3A_378, %parallel_loop3A_383 : vector<16xi32>
      %parallel_loop3A_385 = arith.select %parallel_loop3A_381, %parallel_loop3A_384, %parallel_loop3A_378 : vector<16xi1>, vector<16xi32>
      %parallel_loop3A_386 = vector.shape_cast %parallel_loop3A_385 : vector<16xi32> to vector<16x1xi32>
      %parallel_loop3A_387 = vector.shape_cast %parallel_loop3A_386 : vector<16x1xi32> to vector<16xi32>
      %parallel_loop3A_388 = tpu.dynamic_gather %parallel_loop3A_375[%parallel_loop3A_387] in [0] : vector<16xf32>, vector<16xi32> -> vector<16xf32>
      %parallel_loop3A_389 = arith.addf %parallel_loop3A_375, %parallel_loop3A_388 : vector<16xf32>
      %parallel_loop3A_390 = arith.constant 1.000000e+00 : f32
      %parallel_loop3A_391 = vector.broadcast %parallel_loop3A_390 : f32 to vector<16xf32>
      %parallel_loop3A_392 = arith.divf %parallel_loop3A_391, %parallel_loop3A_389 : vector<16xf32>
      %parallel_loop3A_393 = arith.mulf %parallel_loop3A_324, %parallel_loop3A_392 : vector<16xf32>
      %parallel_loop3A_394 = arith.addf %parallel_loop3A_189, %parallel_loop3A_393 : vector<16xf32>
      %parallel_loop3A_395 = arith.mulf %parallel_loop3A_326, %parallel_loop3A_392 : vector<16xf32>
      %parallel_loop3A_396 = arith.addf %parallel_loop3A_190, %parallel_loop3A_395 : vector<16xf32>
      %parallel_loop3A_397 = arith.mulf %parallel_loop3A_328, %parallel_loop3A_392 : vector<16xf32>
      %parallel_loop3A_398 = arith.addf %parallel_loop3A_191, %parallel_loop3A_397 : vector<16xf32>
      %parallel_loop3A_399 = arith.mulf %parallel_loop3A_330, %parallel_loop3A_392 : vector<16xf32>
      %parallel_loop3A_400 = arith.addf %parallel_loop3A_192, %parallel_loop3A_399 : vector<16xf32>
      %parallel_loop3A_401 = arith.subf %parallel_loop3A_311, %parallel_loop3A_322 : vector<16xf32>
      %parallel_loop3A_402 = math.exp %parallel_loop3A_401 : vector<16xf32>
      %parallel_loop3A_403 = arith.constant 1.600000e+01 : f32
      %parallel_loop3A_404 = vector.broadcast %parallel_loop3A_403 : f32 to vector<16xf32>
      %parallel_loop3A_405 = arith.mulf %parallel_loop3A_392, %parallel_loop3A_404 : vector<16xf32>
      %parallel_loop3A_406 = arith.mulf %parallel_loop3A_402, %parallel_loop3A_405 : vector<16xf32>
      %parallel_loop3A_407 = arith.constant 2 : i32
      %parallel_loop3A_408 = arith.muli %parallel_loop3A_407, %parallel_loop3A_188 : i32
      %parallel_loop3A_409 = arith.constant 1 : i32
      %parallel_loop3A_410 = arith.addi %parallel_loop3A_408, %parallel_loop3A_409 : i32
      %parallel_loop3A_411 = arith.index_cast %parallel_loop3A_410 : i32 to index
      %parallel_loop3A_412 = arith.constant 0 : index
      %parallel_loop3A_413 = tpu.vector_load %arg7[%parallel_loop3A_411, %parallel_loop3A_412] {strides = array<i32>} : memref<256x64xf32, #tpu.memory_space<vmem>>, vector<16xf32>,
      %parallel_loop3A_414 = arith.index_cast %parallel_loop3A_410 : i32 to index
      %parallel_loop3A_415 = arith.constant 16 : index
      %parallel_loop3A_416 = tpu.vector_load %arg7[%parallel_loop3A_414, %parallel_loop3A_415] {strides = array<i32>} : memref<256x64xf32, #tpu.memory_space<vmem>>, vector<16xf32>,
      %parallel_loop3A_417 = arith.index_cast %parallel_loop3A_410 : i32 to index
      %parallel_loop3A_418 = arith.constant 32 : index
      %parallel_loop3A_419 = tpu.vector_load %arg7[%parallel_loop3A_417, %parallel_loop3A_418] {strides = array<i32>} : memref<256x64xf32, #tpu.memory_space<vmem>>, vector<16xf32>,
      %parallel_loop3A_420 = arith.index_cast %parallel_loop3A_410 : i32 to index
      %parallel_loop3A_421 = arith.constant 48 : index
      %parallel_loop3A_422 = tpu.vector_load %arg7[%parallel_loop3A_420, %parallel_loop3A_421] {strides = array<i32>} : memref<256x64xf32, #tpu.memory_space<vmem>>, vector<16xf32>,
      %parallel_loop3A_423 = arith.constant 0 : i32
      %parallel_loop3A_424 = vector.broadcast %parallel_loop3A_423 : i32 to vector<16xi32>
      %parallel_loop3A_425 = arith.addi %iota3A, %parallel_loop3A_424 : vector<16xi32>
      %parallel_loop3A_426 = arith.constant dense<true> : vector<16xi1>
      %parallel_loop3A_427, %parallel_loop3A_428, %parallel_loop3A_429 = tpu.sort %parallel_loop3A_413, %parallel_loop3A_425 masked %parallel_loop3A_426 {descending = true} : (vector<16xf32>, vector<16xi32>, vector<16xi1>) -> (vector<16xi1>, vector<16xf32>, vector<16xi32>)
      %parallel_loop3A_430 = arith.constant 16 : i32
      %parallel_loop3A_431 = vector.broadcast %parallel_loop3A_430 : i32 to vector<16xi32>
      %parallel_loop3A_432 = arith.addi %iota3A, %parallel_loop3A_431 : vector<16xi32>
      %parallel_loop3A_433 = arith.constant dense<true> : vector<16xi1>
      %parallel_loop3A_434, %parallel_loop3A_435, %parallel_loop3A_436 = tpu.sort %parallel_loop3A_416, %parallel_loop3A_432 masked %parallel_loop3A_433 {descending = true} : (vector<16xf32>, vector<16xi32>, vector<16xi1>) -> (vector<16xi1>, vector<16xf32>, vector<16xi32>)
      %parallel_loop3A_437 = arith.constant 32 : i32
      %parallel_loop3A_438 = vector.broadcast %parallel_loop3A_437 : i32 to vector<16xi32>
      %parallel_loop3A_439 = arith.addi %iota3A, %parallel_loop3A_438 : vector<16xi32>
      %parallel_loop3A_440 = arith.constant dense<true> : vector<16xi1>
      %parallel_loop3A_441, %parallel_loop3A_442, %parallel_loop3A_443 = tpu.sort %parallel_loop3A_419, %parallel_loop3A_439 masked %parallel_loop3A_440 {descending = true} : (vector<16xf32>, vector<16xi32>, vector<16xi1>) -> (vector<16xi1>, vector<16xf32>, vector<16xi32>)
      %parallel_loop3A_444 = arith.constant 48 : i32
      %parallel_loop3A_445 = vector.broadcast %parallel_loop3A_444 : i32 to vector<16xi32>
      %parallel_loop3A_446 = arith.addi %iota3A, %parallel_loop3A_445 : vector<16xi32>
      %parallel_loop3A_447 = arith.constant dense<true> : vector<16xi1>
      %parallel_loop3A_448, %parallel_loop3A_449, %parallel_loop3A_450 = tpu.sort %parallel_loop3A_422, %parallel_loop3A_446 masked %parallel_loop3A_447 {descending = true} : (vector<16xf32>, vector<16xi32>, vector<16xi1>) -> (vector<16xi1>, vector<16xf32>, vector<16xi32>)
      %parallel_loop3A_451 = arith.constant 0 : i32
      %parallel_loop3A_452 = vector.broadcast %parallel_loop3A_451 : i32 to vector<16xi32>
      %parallel_loop3A_453 = arith.cmpi slt, %select_n3A, %parallel_loop3A_452 : vector<16xi32>
      %parallel_loop3A_454 = arith.constant 16 : i32
      %parallel_loop3A_455 = vector.broadcast %parallel_loop3A_454 : i32 to vector<16xi32>
      %parallel_loop3A_456 = arith.addi %select_n3A, %parallel_loop3A_455 : vector<16xi32>
      %parallel_loop3A_457 = arith.select %parallel_loop3A_453, %parallel_loop3A_456, %select_n3A : vector<16xi1>, vector<16xi32>
      %parallel_loop3A_458 = vector.shape_cast %parallel_loop3A_457 : vector<16xi32> to vector<16x1xi32>
      %parallel_loop3A_459 = vector.shape_cast %parallel_loop3A_458 : vector<16x1xi32> to vector<16xi32>
      %parallel_loop3A_460 = tpu.dynamic_gather %parallel_loop3A_435[%parallel_loop3A_459] in [0] : vector<16xf32>, vector<16xi32> -> vector<16xf32>
      %parallel_loop3A_461 = arith.constant 0 : i32
      %parallel_loop3A_462 = vector.broadcast %parallel_loop3A_461 : i32 to vector<16xi32>
      %parallel_loop3A_463 = arith.cmpi slt, %select_n3A, %parallel_loop3A_462 : vector<16xi32>
      %parallel_loop3A_464 = arith.constant 16 : i32
      %parallel_loop3A_465 = vector.broadcast %parallel_loop3A_464 : i32 to vector<16xi32>
      %parallel_loop3A_466 = arith.addi %select_n3A, %parallel_loop3A_465 : vector<16xi32>
      %parallel_loop3A_467 = arith.select %parallel_loop3A_463, %parallel_loop3A_466, %select_n3A : vector<16xi1>, vector<16xi32>
      %parallel_loop3A_468 = vector.shape_cast %parallel_loop3A_467 : vector<16xi32> to vector<16x1xi32>
      %parallel_loop3A_469 = vector.shape_cast %parallel_loop3A_468 : vector<16x1xi32> to vector<16xi32>
      %parallel_loop3A_470 = tpu.dynamic_gather %parallel_loop3A_436[%parallel_loop3A_469] in [0] : vector<16xi32>, vector<16xi32> -> vector<16xi32>
      %parallel_loop3A_471 = arith.select %lt3A_4, %parallel_loop3A_428, %parallel_loop3A_460 : vector<16xi1>, vector<16xf32>
      %parallel_loop3A_472 = arith.select %lt3A_4, %parallel_loop3A_429, %parallel_loop3A_470 : vector<16xi1>, vector<16xi32>
      %parallel_loop3A_473 = arith.constant dense<true> : vector<16xi1>
      %parallel_loop3A_474, %parallel_loop3A_475, %parallel_loop3A_476 = tpu.sort %parallel_loop3A_471, %parallel_loop3A_472 masked %parallel_loop3A_473 {descending = true} : (vector<16xf32>, vector<16xi32>, vector<16xi1>) -> (vector<16xi1>, vector<16xf32>, vector<16xi32>)
      %parallel_loop3A_477 = arith.constant 0 : i32
      %parallel_loop3A_478 = vector.broadcast %parallel_loop3A_477 : i32 to vector<16xi32>
      %parallel_loop3A_479 = arith.cmpi slt, %select_n3A, %parallel_loop3A_478 : vector<16xi32>
      %parallel_loop3A_480 = arith.constant 16 : i32
      %parallel_loop3A_481 = vector.broadcast %parallel_loop3A_480 : i32 to vector<16xi32>
      %parallel_loop3A_482 = arith.addi %select_n3A, %parallel_loop3A_481 : vector<16xi32>
      %parallel_loop3A_483 = arith.select %parallel_loop3A_479, %parallel_loop3A_482, %select_n3A : vector<16xi1>, vector<16xi32>
      %parallel_loop3A_484 = vector.shape_cast %parallel_loop3A_483 : vector<16xi32> to vector<16x1xi32>
      %parallel_loop3A_485 = vector.shape_cast %parallel_loop3A_484 : vector<16x1xi32> to vector<16xi32>
      %parallel_loop3A_486 = tpu.dynamic_gather %parallel_loop3A_449[%parallel_loop3A_485] in [0] : vector<16xf32>, vector<16xi32> -> vector<16xf32>
      %parallel_loop3A_487 = arith.constant 0 : i32
      %parallel_loop3A_488 = vector.broadcast %parallel_loop3A_487 : i32 to vector<16xi32>
      %parallel_loop3A_489 = arith.cmpi slt, %select_n3A, %parallel_loop3A_488 : vector<16xi32>
      %parallel_loop3A_490 = arith.constant 16 : i32
      %parallel_loop3A_491 = vector.broadcast %parallel_loop3A_490 : i32 to vector<16xi32>
      %parallel_loop3A_492 = arith.addi %select_n3A, %parallel_loop3A_491 : vector<16xi32>
      %parallel_loop3A_493 = arith.select %parallel_loop3A_489, %parallel_loop3A_492, %select_n3A : vector<16xi1>, vector<16xi32>
      %parallel_loop3A_494 = vector.shape_cast %parallel_loop3A_493 : vector<16xi32> to vector<16x1xi32>
      %parallel_loop3A_495 = vector.shape_cast %parallel_loop3A_494 : vector<16x1xi32> to vector<16xi32>
      %parallel_loop3A_496 = tpu.dynamic_gather %parallel_loop3A_450[%parallel_loop3A_495] in [0] : vector<16xi32>, vector<16xi32> -> vector<16xi32>
      %parallel_loop3A_497 = arith.select %lt3A_4, %parallel_loop3A_442, %parallel_loop3A_486 : vector<16xi1>, vector<16xf32>
      %parallel_loop3A_498 = arith.select %lt3A_4, %parallel_loop3A_443, %parallel_loop3A_496 : vector<16xi1>, vector<16xi32>
      %parallel_loop3A_499 = arith.constant dense<true> : vector<16xi1>
      %parallel_loop3A_500, %parallel_loop3A_501, %parallel_loop3A_502 = tpu.sort %parallel_loop3A_497, %parallel_loop3A_498 masked %parallel_loop3A_499 {descending = true} : (vector<16xf32>, vector<16xi32>, vector<16xi1>) -> (vector<16xi1>, vector<16xf32>, vector<16xi32>)
      %parallel_loop3A_503 = arith.constant 0 : i32
      %parallel_loop3A_504 = vector.broadcast %parallel_loop3A_503 : i32 to vector<16xi32>
      %parallel_loop3A_505 = arith.cmpi slt, %select_n3A, %parallel_loop3A_504 : vector<16xi32>
      %parallel_loop3A_506 = arith.constant 16 : i32
      %parallel_loop3A_507 = vector.broadcast %parallel_loop3A_506 : i32 to vector<16xi32>
      %parallel_loop3A_508 = arith.addi %select_n3A, %parallel_loop3A_507 : vector<16xi32>
      %parallel_loop3A_509 = arith.select %parallel_loop3A_505, %parallel_loop3A_508, %select_n3A : vector<16xi1>, vector<16xi32>
      %parallel_loop3A_510 = vector.shape_cast %parallel_loop3A_509 : vector<16xi32> to vector<16x1xi32>
      %parallel_loop3A_511 = vector.shape_cast %parallel_loop3A_510 : vector<16x1xi32> to vector<16xi32>
      %parallel_loop3A_512 = tpu.dynamic_gather %parallel_loop3A_501[%parallel_loop3A_511] in [0] : vector<16xf32>, vector<16xi32> -> vector<16xf32>
      %parallel_loop3A_513 = arith.constant 0 : i32
      %parallel_loop3A_514 = vector.broadcast %parallel_loop3A_513 : i32 to vector<16xi32>
      %parallel_loop3A_515 = arith.cmpi slt, %select_n3A, %parallel_loop3A_514 : vector<16xi32>
      %parallel_loop3A_516 = arith.constant 16 : i32
      %parallel_loop3A_517 = vector.broadcast %parallel_loop3A_516 : i32 to vector<16xi32>
      %parallel_loop3A_518 = arith.addi %select_n3A, %parallel_loop3A_517 : vector<16xi32>
      %parallel_loop3A_519 = arith.select %parallel_loop3A_515, %parallel_loop3A_518, %select_n3A : vector<16xi1>, vector<16xi32>
      %parallel_loop3A_520 = vector.shape_cast %parallel_loop3A_519 : vector<16xi32> to vector<16x1xi32>
      %parallel_loop3A_521 = vector.shape_cast %parallel_loop3A_520 : vector<16x1xi32> to vector<16xi32>
      %parallel_loop3A_522 = tpu.dynamic_gather %parallel_loop3A_502[%parallel_loop3A_521] in [0] : vector<16xi32>, vector<16xi32> -> vector<16xi32>
      %parallel_loop3A_523 = arith.select %lt3A_4, %parallel_loop3A_475, %parallel_loop3A_512 : vector<16xi1>, vector<16xf32>
      %parallel_loop3A_524 = arith.select %lt3A_4, %parallel_loop3A_476, %parallel_loop3A_522 : vector<16xi1>, vector<16xi32>
      %parallel_loop3A_525 = arith.constant dense<true> : vector<16xi1>
      %parallel_loop3A_526, %parallel_loop3A_527, %parallel_loop3A_528 = tpu.sort %parallel_loop3A_523, %parallel_loop3A_524 masked %parallel_loop3A_525 {descending = true} : (vector<16xf32>, vector<16xi32>, vector<16xi1>) -> (vector<16xi1>, vector<16xf32>, vector<16xi32>)
      %parallel_loop3A_529 = arith.constant 0 : i32
      %parallel_loop3A_530 = vector.broadcast %parallel_loop3A_529 : i32 to vector<16xi32>
      %parallel_loop3A_531 = arith.cmpi slt, %broadcast_in_dim3A_15, %parallel_loop3A_530 : vector<16xi32>
      %parallel_loop3A_532 = arith.constant 16 : i32
      %parallel_loop3A_533 = vector.broadcast %parallel_loop3A_532 : i32 to vector<16xi32>
      %parallel_loop3A_534 = arith.addi %broadcast_in_dim3A_15, %parallel_loop3A_533 : vector<16xi32>
      %parallel_loop3A_535 = arith.select %parallel_loop3A_531, %parallel_loop3A_534, %broadcast_in_dim3A_15 : vector<16xi1>, vector<16xi32>
      %parallel_loop3A_536 = vector.shape_cast %parallel_loop3A_535 : vector<16xi32> to vector<16x1xi32>
      %parallel_loop3A_537 = vector.shape_cast %parallel_loop3A_536 : vector<16x1xi32> to vector<16xi32>
      %parallel_loop3A_538 = tpu.dynamic_gather %parallel_loop3A_527[%parallel_loop3A_537] in [0] : vector<16xf32>, vector<16xi32> -> vector<16xf32>
      %parallel_loop3A_539 = arith.subf %parallel_loop3A_413, %parallel_loop3A_538 : vector<16xf32>
      %parallel_loop3A_540 = math.exp %parallel_loop3A_539 : vector<16xf32>
      %parallel_loop3A_541 = arith.subf %parallel_loop3A_416, %parallel_loop3A_538 : vector<16xf32>
      %parallel_loop3A_542 = math.exp %parallel_loop3A_541 : vector<16xf32>
      %parallel_loop3A_543 = arith.subf %parallel_loop3A_419, %parallel_loop3A_538 : vector<16xf32>
      %parallel_loop3A_544 = math.exp %parallel_loop3A_543 : vector<16xf32>
      %parallel_loop3A_545 = arith.subf %parallel_loop3A_422, %parallel_loop3A_538 : vector<16xf32>
      %parallel_loop3A_546 = math.exp %parallel_loop3A_545 : vector<16xf32>
      %parallel_loop3A_547 = arith.addf %parallel_loop3A_540, %parallel_loop3A_542 : vector<16xf32>
      %parallel_loop3A_548 = arith.addf %parallel_loop3A_547, %parallel_loop3A_544 : vector<16xf32>
      %parallel_loop3A_549 = arith.addf %parallel_loop3A_548, %parallel_loop3A_546 : vector<16xf32>
      %parallel_loop3A_550 = arith.constant 8 : i32
      %parallel_loop3A_551 = vector.broadcast %parallel_loop3A_550 : i32 to vector<16xi32>
      %parallel_loop3A_552 = arith.xori %iota3A, %parallel_loop3A_551 : vector<16xi32>
      %parallel_loop3A_553 = arith.constant 0 : i32
      %parallel_loop3A_554 = vector.broadcast %parallel_loop3A_553 : i32 to vector<16xi32>
      %parallel_loop3A_555 = arith.cmpi slt, %parallel_loop3A_552, %parallel_loop3A_554 : vector<16xi32>
      %parallel_loop3A_556 = arith.constant 16 : i32
      %parallel_loop3A_557 = vector.broadcast %parallel_loop3A_556 : i32 to vector<16xi32>
      %parallel_loop3A_558 = arith.addi %parallel_loop3A_552, %parallel_loop3A_557 : vector<16xi32>
      %parallel_loop3A_559 = arith.select %parallel_loop3A_555, %parallel_loop3A_558, %parallel_loop3A_552 : vector<16xi1>, vector<16xi32>
      %parallel_loop3A_560 = vector.shape_cast %parallel_loop3A_559 : vector<16xi32> to vector<16x1xi32>
      %parallel_loop3A_561 = vector.shape_cast %parallel_loop3A_560 : vector<16x1xi32> to vector<16xi32>
      %parallel_loop3A_562 = tpu.dynamic_gather %parallel_loop3A_549[%parallel_loop3A_561] in [0] : vector<16xf32>, vector<16xi32> -> vector<16xf32>
      %parallel_loop3A_563 = arith.addf %parallel_loop3A_549, %parallel_loop3A_562 : vector<16xf32>
      %parallel_loop3A_564 = arith.constant 4 : i32
      %parallel_loop3A_565 = vector.broadcast %parallel_loop3A_564 : i32 to vector<16xi32>
      %parallel_loop3A_566 = arith.xori %iota3A, %parallel_loop3A_565 : vector<16xi32>
      %parallel_loop3A_567 = arith.constant 0 : i32
      %parallel_loop3A_568 = vector.broadcast %parallel_loop3A_567 : i32 to vector<16xi32>
      %parallel_loop3A_569 = arith.cmpi slt, %parallel_loop3A_566, %parallel_loop3A_568 : vector<16xi32>
      %parallel_loop3A_570 = arith.constant 16 : i32
      %parallel_loop3A_571 = vector.broadcast %parallel_loop3A_570 : i32 to vector<16xi32>
      %parallel_loop3A_572 = arith.addi %parallel_loop3A_566, %parallel_loop3A_571 : vector<16xi32>
      %parallel_loop3A_573 = arith.select %parallel_loop3A_569, %parallel_loop3A_572, %parallel_loop3A_566 : vector<16xi1>, vector<16xi32>
      %parallel_loop3A_574 = vector.shape_cast %parallel_loop3A_573 : vector<16xi32> to vector<16x1xi32>
      %parallel_loop3A_575 = vector.shape_cast %parallel_loop3A_574 : vector<16x1xi32> to vector<16xi32>
      %parallel_loop3A_576 = tpu.dynamic_gather %parallel_loop3A_563[%parallel_loop3A_575] in [0] : vector<16xf32>, vector<16xi32> -> vector<16xf32>
      %parallel_loop3A_577 = arith.addf %parallel_loop3A_563, %parallel_loop3A_576 : vector<16xf32>
      %parallel_loop3A_578 = arith.constant 2 : i32
      %parallel_loop3A_579 = vector.broadcast %parallel_loop3A_578 : i32 to vector<16xi32>
      %parallel_loop3A_580 = arith.xori %iota3A, %parallel_loop3A_579 : vector<16xi32>
      %parallel_loop3A_581 = arith.constant 0 : i32
      %parallel_loop3A_582 = vector.broadcast %parallel_loop3A_581 : i32 to vector<16xi32>
      %parallel_loop3A_583 = arith.cmpi slt, %parallel_loop3A_580, %parallel_loop3A_582 : vector<16xi32>
      %parallel_loop3A_584 = arith.constant 16 : i32
      %parallel_loop3A_585 = vector.broadcast %parallel_loop3A_584 : i32 to vector<16xi32>
      %parallel_loop3A_586 = arith.addi %parallel_loop3A_580, %parallel_loop3A_585 : vector<16xi32>
      %parallel_loop3A_587 = arith.select %parallel_loop3A_583, %parallel_loop3A_586, %parallel_loop3A_580 : vector<16xi1>, vector<16xi32>
      %parallel_loop3A_588 = vector.shape_cast %parallel_loop3A_587 : vector<16xi32> to vector<16x1xi32>
      %parallel_loop3A_589 = vector.shape_cast %parallel_loop3A_588 : vector<16x1xi32> to vector<16xi32>
      %parallel_loop3A_590 = tpu.dynamic_gather %parallel_loop3A_577[%parallel_loop3A_589] in [0] : vector<16xf32>, vector<16xi32> -> vector<16xf32>
      %parallel_loop3A_591 = arith.addf %parallel_loop3A_577, %parallel_loop3A_590 : vector<16xf32>
      %parallel_loop3A_592 = arith.constant 1 : i32
      %parallel_loop3A_593 = vector.broadcast %parallel_loop3A_592 : i32 to vector<16xi32>
      %parallel_loop3A_594 = arith.xori %iota3A, %parallel_loop3A_593 : vector<16xi32>
      %parallel_loop3A_595 = arith.constant 0 : i32
      %parallel_loop3A_596 = vector.broadcast %parallel_loop3A_595 : i32 to vector<16xi32>
      %parallel_loop3A_597 = arith.cmpi slt, %parallel_loop3A_594, %parallel_loop3A_596 : vector<16xi32>
      %parallel_loop3A_598 = arith.constant 16 : i32
      %parallel_loop3A_599 = vector.broadcast %parallel_loop3A_598 : i32 to vector<16xi32>
      %parallel_loop3A_600 = arith.addi %parallel_loop3A_594, %parallel_loop3A_599 : vector<16xi32>
      %parallel_loop3A_601 = arith.select %parallel_loop3A_597, %parallel_loop3A_600, %parallel_loop3A_594 : vector<16xi1>, vector<16xi32>
      %parallel_loop3A_602 = vector.shape_cast %parallel_loop3A_601 : vector<16xi32> to vector<16x1xi32>
      %parallel_loop3A_603 = vector.shape_cast %parallel_loop3A_602 : vector<16x1xi32> to vector<16xi32>
      %parallel_loop3A_604 = tpu.dynamic_gather %parallel_loop3A_591[%parallel_loop3A_603] in [0] : vector<16xf32>, vector<16xi32> -> vector<16xf32>
      %parallel_loop3A_605 = arith.addf %parallel_loop3A_591, %parallel_loop3A_604 : vector<16xf32>
      %parallel_loop3A_606 = arith.constant 1.000000e+00 : f32
      %parallel_loop3A_607 = vector.broadcast %parallel_loop3A_606 : f32 to vector<16xf32>
      %parallel_loop3A_608 = arith.divf %parallel_loop3A_607, %parallel_loop3A_605 : vector<16xf32>
      %parallel_loop3A_609 = arith.mulf %parallel_loop3A_540, %parallel_loop3A_608 : vector<16xf32>
      %parallel_loop3A_610 = arith.addf %parallel_loop3A_394, %parallel_loop3A_609 : vector<16xf32>
      %parallel_loop3A_611 = arith.mulf %parallel_loop3A_542, %parallel_loop3A_608 : vector<16xf32>
      %parallel_loop3A_612 = arith.addf %parallel_loop3A_396, %parallel_loop3A_611 : vector<16xf32>
      %parallel_loop3A_613 = arith.mulf %parallel_loop3A_544, %parallel_loop3A_608 : vector<16xf32>
      %parallel_loop3A_614 = arith.addf %parallel_loop3A_398, %parallel_loop3A_613 : vector<16xf32>
      %parallel_loop3A_615 = arith.mulf %parallel_loop3A_546, %parallel_loop3A_608 : vector<16xf32>
      %parallel_loop3A_616 = arith.addf %parallel_loop3A_400, %parallel_loop3A_615 : vector<16xf32>
      %parallel_loop3A_617 = arith.subf %parallel_loop3A_527, %parallel_loop3A_538 : vector<16xf32>
      %parallel_loop3A_618 = math.exp %parallel_loop3A_617 : vector<16xf32>
      %parallel_loop3A_619 = arith.constant 1.600000e+01 : f32
      %parallel_loop3A_620 = vector.broadcast %parallel_loop3A_619 : f32 to vector<16xf32>
      %parallel_loop3A_621 = arith.mulf %parallel_loop3A_608, %parallel_loop3A_620 : vector<16xf32>
      %parallel_loop3A_622 = arith.mulf %parallel_loop3A_618, %parallel_loop3A_621 : vector<16xf32>
      %parallel_loop3A_623 = arith.constant 0 : i32
      %parallel_loop3A_624 = vector.broadcast %parallel_loop3A_623 : i32 to vector<16xi32>
      %parallel_loop3A_625 = arith.cmpi slt, %select_n3A, %parallel_loop3A_624 : vector<16xi32>
      %parallel_loop3A_626 = arith.constant 16 : i32
      %parallel_loop3A_627 = vector.broadcast %parallel_loop3A_626 : i32 to vector<16xi32>
      %parallel_loop3A_628 = arith.addi %select_n3A, %parallel_loop3A_627 : vector<16xi32>
      %parallel_loop3A_629 = arith.select %parallel_loop3A_625, %parallel_loop3A_628, %select_n3A : vector<16xi1>, vector<16xi32>
      %parallel_loop3A_630 = vector.shape_cast %parallel_loop3A_629 : vector<16xi32> to vector<16x1xi32>
      %parallel_loop3A_631 = vector.shape_cast %parallel_loop3A_630 : vector<16x1xi32> to vector<16xi32>
      %parallel_loop3A_632 = tpu.dynamic_gather %parallel_loop3A_622[%parallel_loop3A_631] in [0] : vector<16xf32>, vector<16xi32> -> vector<16xf32>
      %parallel_loop3A_633 = arith.select %lt3A_4, %parallel_loop3A_406, %parallel_loop3A_632 : vector<16xi1>, vector<16xf32>
      %parallel_loop3A_634 = arith.constant 0 : i32
      %parallel_loop3A_635 = vector.broadcast %parallel_loop3A_634 : i32 to vector<16xi32>
      %parallel_loop3A_636 = arith.cmpi slt, %select_n3A, %parallel_loop3A_635 : vector<16xi32>
      %parallel_loop3A_637 = arith.constant 16 : i32
      %parallel_loop3A_638 = vector.broadcast %parallel_loop3A_637 : i32 to vector<16xi32>
      %parallel_loop3A_639 = arith.addi %select_n3A, %parallel_loop3A_638 : vector<16xi32>
      %parallel_loop3A_640 = arith.select %parallel_loop3A_636, %parallel_loop3A_639, %select_n3A : vector<16xi1>, vector<16xi32>
      %parallel_loop3A_641 = vector.shape_cast %parallel_loop3A_640 : vector<16xi32> to vector<16x1xi32>
      %parallel_loop3A_642 = vector.shape_cast %parallel_loop3A_641 : vector<16x1xi32> to vector<16xi32>
      %parallel_loop3A_643 = tpu.dynamic_gather %parallel_loop3A_528[%parallel_loop3A_642] in [0] : vector<16xi32>, vector<16xi32> -> vector<16xi32>
      %parallel_loop3A_644 = arith.select %lt3A_4, %parallel_loop3A_312, %parallel_loop3A_643 : vector<16xi1>, vector<16xi32>
      %parallel_loop3A_645 = arith.constant 2 : i32
      %parallel_loop3A_646 = arith.muli %parallel_loop3A_645, %parallel_loop3A_188 : i32
      %parallel_loop3A_647 = vector.broadcast %parallel_loop3A_646 : i32 to vector<16xi32>
      %parallel_loop3A_648 = arith.addi %shift_right_arithmetic3A_11, %parallel_loop3A_647 : vector<16xi32>
      tpu.vector_store_idx %arg8[%and3A_13, %parallel_loop3A_648], %parallel_loop3A_633 : memref<8x256xf32, #tpu.memory_space<vmem>>[vector<16xi32>, vector<16xi32>], vector<16xf32>,
      tpu.vector_store_idx %arg9[%and3A_13, %parallel_loop3A_648], %parallel_loop3A_644 : memref<8x256xi32, #tpu.memory_space<vmem>>[vector<16xi32>, vector<16xi32>], vector<16xi32>,
      scf.yield %parallel_loop3A_610, %parallel_loop3A_612, %parallel_loop3A_614, %parallel_loop3A_616 : vector<16xf32>, vector<16xf32>, vector<16xf32>, vector<16xf32>
    } {sc.loop_unroll_factor = 1 : i64, sc.parallel_access}
    %swap3A_84 = arith.constant 0 : index
    %swap3A_85 = tpu.vector_load %arg11[%swap3A_84] {strides = array<i32>} : memref<64xf32, #tpu.memory_space<vmem>>, vector<16xf32>,
    tpu.vector_store %arg11[%swap3A_84], %parallel_loop3A_83#0 {strides = array<i32>} : memref<64xf32, #tpu.memory_space<vmem>>, vector<16xf32>,
    %swap3A_86 = arith.constant 16 : index
    %swap3A_87 = tpu.vector_load %arg11[%swap3A_86] {strides = array<i32>} : memref<64xf32, #tpu.memory_space<vmem>>, vector<16xf32>,
    tpu.vector_store %arg11[%swap3A_86], %parallel_loop3A_83#1 {strides = array<i32>} : memref<64xf32, #tpu.memory_space<vmem>>, vector<16xf32>,
    %swap3A_88 = arith.constant 32 : index
    %swap3A_89 = tpu.vector_load %arg11[%swap3A_88] {strides = array<i32>} : memref<64xf32, #tpu.memory_space<vmem>>, vector<16xf32>,
    tpu.vector_store %arg11[%swap3A_88], %parallel_loop3A_83#2 {strides = array<i32>} : memref<64xf32, #tpu.memory_space<vmem>>, vector<16xf32>,
    %swap3A_90 = arith.constant 48 : index
    %swap3A_91 = tpu.vector_load %arg11[%swap3A_90] {strides = array<i32>} : memref<64xf32, #tpu.memory_space<vmem>>, vector<16xf32>,
    tpu.vector_store %arg11[%swap3A_90], %parallel_loop3A_83#3 {strides = array<i32>} : memref<64xf32, #tpu.memory_space<vmem>>, vector<16xf32>,
    %scan3A = arith.constant 0 : i32
    %scan3A_92 = arith.constant 0 : i32
    %scan3A_93 = arith.constant 32 : i32
    %scan3A_94 = arith.addi %scan3A_92, %scan3A_93 : i32
    %scan3A_95 = arith.constant 1 : i32
    scf.for %scan3A_188 = %scan3A_92 to %scan3A_94 step %scan3A_95  : i32 {
      %mul3A_189 = arith.constant 4 : i32
      %mul3A_190 = arith.muli %mul3A_189, %scan3A_188 : i32
      %add3A_191 = arith.constant 0 : i32
      %add3A_192 = arith.addi %mul3A_190, %add3A_191 : i32
      %mul3A_193 = arith.constant 2 : i32
      %mul3A_194 = arith.muli %mul3A_193, %add3A_192 : i32
      %add3A_195 = vector.broadcast %mul3A_194 : i32 to vector<16xi32>
      %add3A_196 = arith.addi %shift_right_arithmetic3A_11, %add3A_195 : vector<16xi32>
      %gather3A = tpu.vector_load_idx %arg9[%and3A_13, %add3A_196] : memref<8x256xi32, #tpu.memory_space<vmem>>[vector<16xi32>, vector<16xi32>], vector<16xi32>,
      %scatter3A = arith.constant 0 : i32
      %scatter3A_197 = arith.constant 0 : i32
      %scatter3A_198 = tpu.memref_slice %arg10[%scatter3A, %scatter3A_197] : memref<4x64xf32, #tpu.memory_space<vmem>> -> memref<1x64xf32, #tpu.memory_space<vmem>>
      %scatter3A_199 = tpu.memref_squeeze %scatter3A_198 : memref<1x64xf32, #tpu.memory_space<vmem>> -> memref<64xf32, #tpu.memory_space<vmem>>
      tpu.vector_store_idx %scatter3A_199[%gather3A], %broadcast_in_dim3A_5 {add = true} : memref<64xf32, #tpu.memory_space<vmem>>[vector<16xi32>], vector<16xf32>,
      %mul3A_200 = arith.constant 4 : i32
      %mul3A_201 = arith.muli %mul3A_200, %scan3A_188 : i32
      %add3A_202 = arith.constant 1 : i32
      %add3A_203 = arith.addi %mul3A_201, %add3A_202 : i32
      %mul3A_204 = arith.constant 2 : i32
      %mul3A_205 = arith.muli %mul3A_204, %add3A_203 : i32
      %add3A_206 = vector.broadcast %mul3A_205 : i32 to vector<16xi32>
      %add3A_207 = arith.addi %shift_right_arithmetic3A_11, %add3A_206 : vector<16xi32>
      %gather3A_208 = tpu.vector_load_idx %arg9[%and3A_13, %add3A_207] : memref<8x256xi32, #tpu.memory_space<vmem>>[vector<16xi32>, vector<16xi32>], vector<16xi32>,
      %scatter3A_209 = arith.constant 1 : i32
      %scatter3A_210 = arith.constant 0 : i32
      %scatter3A_211 = tpu.memref_slice %arg10[%scatter3A_209, %scatter3A_210] : memref<4x64xf32, #tpu.memory_space<vmem>> -> memref<1x64xf32, #tpu.memory_space<vmem>>
      %scatter3A_212 = tpu.memref_squeeze %scatter3A_211 : memref<1x64xf32, #tpu.memory_space<vmem>> -> memref<64xf32, #tpu.memory_space<vmem>>
      tpu.vector_store_idx %scatter3A_212[%gather3A_208], %broadcast_in_dim3A_5 {add = true} : memref<64xf32, #tpu.memory_space<vmem>>[vector<16xi32>], vector<16xf32>,
      %mul3A_213 = arith.constant 4 : i32
      %mul3A_214 = arith.muli %mul3A_213, %scan3A_188 : i32
      %add3A_215 = arith.constant 2 : i32
      %add3A_216 = arith.addi %mul3A_214, %add3A_215 : i32
      %mul3A_217 = arith.constant 2 : i32
      %mul3A_218 = arith.muli %mul3A_217, %add3A_216 : i32
      %add3A_219 = vector.broadcast %mul3A_218 : i32 to vector<16xi32>
      %add3A_220 = arith.addi %shift_right_arithmetic3A_11, %add3A_219 : vector<16xi32>
      %gather3A_221 = tpu.vector_load_idx %arg9[%and3A_13, %add3A_220] : memref<8x256xi32, #tpu.memory_space<vmem>>[vector<16xi32>, vector<16xi32>], vector<16xi32>,
      %scatter3A_222 = arith.constant 2 : i32
      %scatter3A_223 = arith.constant 0 : i32
      %scatter3A_224 = tpu.memref_slice %arg10[%scatter3A_222, %scatter3A_223] : memref<4x64xf32, #tpu.memory_space<vmem>> -> memref<1x64xf32, #tpu.memory_space<vmem>>
      %scatter3A_225 = tpu.memref_squeeze %scatter3A_224 : memref<1x64xf32, #tpu.memory_space<vmem>> -> memref<64xf32, #tpu.memory_space<vmem>>
      tpu.vector_store_idx %scatter3A_225[%gather3A_221], %broadcast_in_dim3A_5 {add = true} : memref<64xf32, #tpu.memory_space<vmem>>[vector<16xi32>], vector<16xf32>,
      %mul3A_226 = arith.constant 4 : i32
      %mul3A_227 = arith.muli %mul3A_226, %scan3A_188 : i32
      %add3A_228 = arith.constant 3 : i32
      %add3A_229 = arith.addi %mul3A_227, %add3A_228 : i32
      %mul3A_230 = arith.constant 2 : i32
      %mul3A_231 = arith.muli %mul3A_230, %add3A_229 : i32
      %add3A_232 = vector.broadcast %mul3A_231 : i32 to vector<16xi32>
      %add3A_233 = arith.addi %shift_right_arithmetic3A_11, %add3A_232 : vector<16xi32>
      %gather3A_234 = tpu.vector_load_idx %arg9[%and3A_13, %add3A_233] : memref<8x256xi32, #tpu.memory_space<vmem>>[vector<16xi32>, vector<16xi32>], vector<16xi32>,
      %scatter3A_235 = arith.constant 3 : i32
      %scatter3A_236 = arith.constant 0 : i32
      %scatter3A_237 = tpu.memref_slice %arg10[%scatter3A_235, %scatter3A_236] : memref<4x64xf32, #tpu.memory_space<vmem>> -> memref<1x64xf32, #tpu.memory_space<vmem>>
      %scatter3A_238 = tpu.memref_squeeze %scatter3A_237 : memref<1x64xf32, #tpu.memory_space<vmem>> -> memref<64xf32, #tpu.memory_space<vmem>>
      tpu.vector_store_idx %scatter3A_238[%gather3A_234], %broadcast_in_dim3A_5 {add = true} : memref<64xf32, #tpu.memory_space<vmem>>[vector<16xi32>], vector<16xf32>,
    }
    %scan3A_96 = arith.constant 32 : i32
    %get3A = arith.constant 0 : i32
    %get3A_97 = arith.index_cast %get3A : i32 to index
    %get3A_98 = arith.constant 0 : index
    %get3A_99 = tpu.vector_load %arg10[%get3A_97, %get3A_98] {strides = array<i32>} : memref<4x64xf32, #tpu.memory_space<vmem>>, vector<16xf32>,
    %get3A_100 = arith.constant 1 : i32
    %get3A_101 = arith.index_cast %get3A_100 : i32 to index
    %get3A_102 = arith.constant 0 : index
    %get3A_103 = tpu.vector_load %arg10[%get3A_101, %get3A_102] {strides = array<i32>} : memref<4x64xf32, #tpu.memory_space<vmem>>, vector<16xf32>,
    %add3A_104 = arith.addf %get3A_99, %get3A_103 : vector<16xf32>
    %get3A_105 = arith.constant 2 : i32
    %get3A_106 = arith.index_cast %get3A_105 : i32 to index
    %get3A_107 = arith.constant 0 : index
    %get3A_108 = tpu.vector_load %arg10[%get3A_106, %get3A_107] {strides = array<i32>} : memref<4x64xf32, #tpu.memory_space<vmem>>, vector<16xf32>,
    %get3A_109 = arith.constant 3 : i32
    %get3A_110 = arith.index_cast %get3A_109 : i32 to index
    %get3A_111 = arith.constant 0 : index
    %get3A_112 = tpu.vector_load %arg10[%get3A_110, %get3A_111] {strides = array<i32>} : memref<4x64xf32, #tpu.memory_space<vmem>>, vector<16xf32>,
    %add3A_113 = arith.addf %get3A_108, %get3A_112 : vector<16xf32>
    %add3A_114 = arith.addf %add3A_104, %add3A_113 : vector<16xf32>
    %swap3A_115 = arith.constant 0 : i32
    %swap3A_116 = arith.index_cast %swap3A_115 : i32 to index
    %swap3A_117 = arith.constant 0 : index
    %swap3A_118 = tpu.vector_load %arg10[%swap3A_116, %swap3A_117] {strides = array<i32>} : memref<4x64xf32, #tpu.memory_space<vmem>>, vector<16xf32>,
    tpu.vector_store %arg10[%swap3A_116, %swap3A_117], %add3A_114 {strides = array<i32>} : memref<4x64xf32, #tpu.memory_space<vmem>>, vector<16xf32>,
    %get3A_119 = arith.constant 0 : i32
    %get3A_120 = arith.index_cast %get3A_119 : i32 to index
    %get3A_121 = arith.constant 16 : index
    %get3A_122 = tpu.vector_load %arg10[%get3A_120, %get3A_121] {strides = array<i32>} : memref<4x64xf32, #tpu.memory_space<vmem>>, vector<16xf32>,
    %get3A_123 = arith.constant 1 : i32
    %get3A_124 = arith.index_cast %get3A_123 : i32 to index
    %get3A_125 = arith.constant 16 : index
    %get3A_126 = tpu.vector_load %arg10[%get3A_124, %get3A_125] {strides = array<i32>} : memref<4x64xf32, #tpu.memory_space<vmem>>, vector<16xf32>,
    %add3A_127 = arith.addf %get3A_122, %get3A_126 : vector<16xf32>
    %get3A_128 = arith.constant 2 : i32
    %get3A_129 = arith.index_cast %get3A_128 : i32 to index
    %get3A_130 = arith.constant 16 : index
    %get3A_131 = tpu.vector_load %arg10[%get3A_129, %get3A_130] {strides = array<i32>} : memref<4x64xf32, #tpu.memory_space<vmem>>, vector<16xf32>,
    %get3A_132 = arith.constant 3 : i32
    %get3A_133 = arith.index_cast %get3A_132 : i32 to index
    %get3A_134 = arith.constant 16 : index
    %get3A_135 = tpu.vector_load %arg10[%get3A_133, %get3A_134] {strides = array<i32>} : memref<4x64xf32, #tpu.memory_space<vmem>>, vector<16xf32>,
    %add3A_136 = arith.addf %get3A_131, %get3A_135 : vector<16xf32>
    %add3A_137 = arith.addf %add3A_127, %add3A_136 : vector<16xf32>
    %swap3A_138 = arith.constant 0 : i32
    %swap3A_139 = arith.index_cast %swap3A_138 : i32 to index
    %swap3A_140 = arith.constant 16 : index
    %swap3A_141 = tpu.vector_load %arg10[%swap3A_139, %swap3A_140] {strides = array<i32>} : memref<4x64xf32, #tpu.memory_space<vmem>>, vector<16xf32>,
    tpu.vector_store %arg10[%swap3A_139, %swap3A_140], %add3A_137 {strides = array<i32>} : memref<4x64xf32, #tpu.memory_space<vmem>>, vector<16xf32>,
    %get3A_142 = arith.constant 0 : i32
    %get3A_143 = arith.index_cast %get3A_142 : i32 to index
    %get3A_144 = arith.constant 32 : index
    %get3A_145 = tpu.vector_load %arg10[%get3A_143, %get3A_144] {strides = array<i32>} : memref<4x64xf32, #tpu.memory_space<vmem>>, vector<16xf32>,
    %get3A_146 = arith.constant 1 : i32
    %get3A_147 = arith.index_cast %get3A_146 : i32 to index
    %get3A_148 = arith.constant 32 : index
    %get3A_149 = tpu.vector_load %arg10[%get3A_147, %get3A_148] {strides = array<i32>} : memref<4x64xf32, #tpu.memory_space<vmem>>, vector<16xf32>,
    %add3A_150 = arith.addf %get3A_145, %get3A_149 : vector<16xf32>
    %get3A_151 = arith.constant 2 : i32
    %get3A_152 = arith.index_cast %get3A_151 : i32 to index
    %get3A_153 = arith.constant 32 : index
    %get3A_154 = tpu.vector_load %arg10[%get3A_152, %get3A_153] {strides = array<i32>} : memref<4x64xf32, #tpu.memory_space<vmem>>, vector<16xf32>,
    %get3A_155 = arith.constant 3 : i32
    %get3A_156 = arith.index_cast %get3A_155 : i32 to index
    %get3A_157 = arith.constant 32 : index
    %get3A_158 = tpu.vector_load %arg10[%get3A_156, %get3A_157] {strides = array<i32>} : memref<4x64xf32, #tpu.memory_space<vmem>>, vector<16xf32>,
    %add3A_159 = arith.addf %get3A_154, %get3A_158 : vector<16xf32>
    %add3A_160 = arith.addf %add3A_150, %add3A_159 : vector<16xf32>
    %swap3A_161 = arith.constant 0 : i32
    %swap3A_162 = arith.index_cast %swap3A_161 : i32 to index
    %swap3A_163 = arith.constant 32 : index
    %swap3A_164 = tpu.vector_load %arg10[%swap3A_162, %swap3A_163] {strides = array<i32>} : memref<4x64xf32, #tpu.memory_space<vmem>>, vector<16xf32>,
    tpu.vector_store %arg10[%swap3A_162, %swap3A_163], %add3A_160 {strides = array<i32>} : memref<4x64xf32, #tpu.memory_space<vmem>>, vector<16xf32>,
    %get3A_165 = arith.constant 0 : i32
    %get3A_166 = arith.index_cast %get3A_165 : i32 to index
    %get3A_167 = arith.constant 48 : index
    %get3A_168 = tpu.vector_load %arg10[%get3A_166, %get3A_167] {strides = array<i32>} : memref<4x64xf32, #tpu.memory_space<vmem>>, vector<16xf32>,
    %get3A_169 = arith.constant 1 : i32
    %get3A_170 = arith.index_cast %get3A_169 : i32 to index
    %get3A_171 = arith.constant 48 : index
    %get3A_172 = tpu.vector_load %arg10[%get3A_170, %get3A_171] {strides = array<i32>} : memref<4x64xf32, #tpu.memory_space<vmem>>, vector<16xf32>,
    %add3A_173 = arith.addf %get3A_168, %get3A_172 : vector<16xf32>
    %get3A_174 = arith.constant 2 : i32
    %get3A_175 = arith.index_cast %get3A_174 : i32 to index
    %get3A_176 = arith.constant 48 : index
    %get3A_177 = tpu.vector_load %arg10[%get3A_175, %get3A_176] {strides = array<i32>} : memref<4x64xf32, #tpu.memory_space<vmem>>, vector<16xf32>,
    %get3A_178 = arith.constant 3 : i32
    %get3A_179 = arith.index_cast %get3A_178 : i32 to index
    %get3A_180 = arith.constant 48 : index
    %get3A_181 = tpu.vector_load %arg10[%get3A_179, %get3A_180] {strides = array<i32>} : memref<4x64xf32, #tpu.memory_space<vmem>>, vector<16xf32>,
    %add3A_182 = arith.addf %get3A_177, %get3A_181 : vector<16xf32>
    %add3A_183 = arith.addf %add3A_173, %add3A_182 : vector<16xf32>
    %swap3A_184 = arith.constant 0 : i32
    %swap3A_185 = arith.index_cast %swap3A_184 : i32 to index
    %swap3A_186 = arith.constant 48 : index
    %swap3A_187 = tpu.vector_load %arg10[%swap3A_185, %swap3A_186] {strides = array<i32>} : memref<4x64xf32, #tpu.memory_space<vmem>>, vector<16xf32>,
    tpu.vector_store %arg10[%swap3A_185, %swap3A_186], %add3A_183 {strides = array<i32>} : memref<4x64xf32, #tpu.memory_space<vmem>>, vector<16xf32>,
    "tpu.region"() ({
      %run_scoped3A_188 = tpu.sem_alloc : memref<!tpu.dma_semaphore, #tpu.memory_space<semaphore_mem>>
      %dma_start3A = arith.constant 0 : i32
      %dma_start3A_189 = tpu.memref_slice %arg3[%dma_start3A, %mul3A_2] : memref<8x8192xf32, #tpu.memory_space<hbm>> -> memref<8x256xf32, #tpu.memory_space<hbm>>
      %dma_start3A_190 = arith.constant 0 : i32
      %dma_start3A_191 = tpu.memref_slice %arg3[%dma_start3A_190, %mul3A_2] : memref<8x8192xf32, #tpu.memory_space<hbm>> -> memref<8x256xf32, #tpu.memory_space<hbm>>
      tpu.enqueue_dma source(%arg8 : memref<8x256xf32, #tpu.memory_space<vmem>>) target(%dma_start3A_191 : memref<8x256xf32, #tpu.memory_space<hbm>>) target_semaphore(%run_scoped3A_188 : memref<!tpu.dma_semaphore, #tpu.memory_space<semaphore_mem>>)
      %dma_wait3A = arith.constant 0 : i32
      %dma_wait3A_192 = tpu.memref_slice %arg3[%dma_wait3A, %mul3A_2] : memref<8x8192xf32, #tpu.memory_space<hbm>> -> memref<8x256xf32, #tpu.memory_space<hbm>>
      %dma_wait3A_193 = arith.constant 0 : i32
      %dma_wait3A_194 = tpu.memref_slice %arg3[%dma_wait3A_193, %mul3A_2] : memref<8x8192xf32, #tpu.memory_space<hbm>> -> memref<8x256xf32, #tpu.memory_space<hbm>>
      tpu.wait_dma2 semaphore(%run_scoped3A_188 : memref<!tpu.dma_semaphore, #tpu.memory_space<semaphore_mem>>) src(%arg8 : memref<8x256xf32, #tpu.memory_space<vmem>>) dst(%dma_wait3A_194 : memref<8x256xf32, #tpu.memory_space<hbm>>)
      tpu.yield
    }) : () -> ()
    "tpu.region"() ({
      %run_scoped3A_188 = tpu.sem_alloc : memref<!tpu.dma_semaphore, #tpu.memory_space<semaphore_mem>>
      %dma_start3A = arith.constant 0 : i32
      %dma_start3A_189 = tpu.memref_slice %arg4[%dma_start3A, %mul3A_2] : memref<8x8192xi32, #tpu.memory_space<hbm>> -> memref<8x256xi32, #tpu.memory_space<hbm>>
      %dma_start3A_190 = arith.constant 0 : i32
      %dma_start3A_191 = tpu.memref_slice %arg4[%dma_start3A_190, %mul3A_2] : memref<8x8192xi32, #tpu.memory_space<hbm>> -> memref<8x256xi32, #tpu.memory_space<hbm>>
      tpu.enqueue_dma source(%arg9 : memref<8x256xi32, #tpu.memory_space<vmem>>) target(%dma_start3A_191 : memref<8x256xi32, #tpu.memory_space<hbm>>) target_semaphore(%run_scoped3A_188 : memref<!tpu.dma_semaphore, #tpu.memory_space<semaphore_mem>>)
      %dma_wait3A = arith.constant 0 : i32
      %dma_wait3A_192 = tpu.memref_slice %arg4[%dma_wait3A, %mul3A_2] : memref<8x8192xi32, #tpu.memory_space<hbm>> -> memref<8x256xi32, #tpu.memory_space<hbm>>
      %dma_wait3A_193 = arith.constant 0 : i32
      %dma_wait3A_194 = tpu.memref_slice %arg4[%dma_wait3A_193, %mul3A_2] : memref<8x8192xi32, #tpu.memory_space<hbm>> -> memref<8x256xi32, #tpu.memory_space<hbm>>
      tpu.wait_dma2 semaphore(%run_scoped3A_188 : memref<!tpu.dma_semaphore, #tpu.memory_space<semaphore_mem>>) src(%arg9 : memref<8x256xi32, #tpu.memory_space<vmem>>) dst(%dma_wait3A_194 : memref<8x256xi32, #tpu.memory_space<hbm>>)
      tpu.yield
    }) : () -> ()
    %run_scoped3A = arith.constant 0 : i32
    "tpu.region"() ({
      %run_scoped3A_188 = tpu.sem_alloc : memref<!tpu.dma_semaphore, #tpu.memory_space<semaphore_mem>>
      %dma_start3A = arith.constant 0 : i32
      %dma_start3A_189 = tpu.memref_slice %arg10[%run_scoped3A, %dma_start3A] : memref<4x64xf32, #tpu.memory_space<vmem>> -> memref<1x64xf32, #tpu.memory_space<vmem>>
      %dma_start3A_190 = tpu.memref_squeeze %dma_start3A_189 : memref<1x64xf32, #tpu.memory_space<vmem>> -> memref<64xf32, #tpu.memory_space<vmem>>
      %dma_start3A_191 = arith.constant 0 : i32
      %dma_start3A_192 = tpu.memref_slice %arg5[%add3A, %dma_start3A_191] : memref<32x64xf32, #tpu.memory_space<hbm>> -> memref<1x64xf32, #tpu.memory_space<hbm>>
      %dma_start3A_193 = tpu.memref_squeeze %dma_start3A_192 : memref<1x64xf32, #tpu.memory_space<hbm>> -> memref<64xf32, #tpu.memory_space<hbm>>
      %dma_start3A_194 = arith.constant 0 : i32
      %dma_start3A_195 = tpu.memref_slice %arg5[%add3A, %dma_start3A_194] : memref<32x64xf32, #tpu.memory_space<hbm>> -> memref<1x64xf32, #tpu.memory_space<hbm>>
      %dma_start3A_196 = tpu.memref_squeeze %dma_start3A_195 : memref<1x64xf32, #tpu.memory_space<hbm>> -> memref<64xf32, #tpu.memory_space<hbm>>
      %dma_start3A_197 = arith.constant 0 : i32
      %dma_start3A_198 = tpu.memref_slice %arg10[%run_scoped3A, %dma_start3A_197] : memref<4x64xf32, #tpu.memory_space<vmem>> -> memref<1x64xf32, #tpu.memory_space<vmem>>
      %dma_start3A_199 = tpu.memref_squeeze %dma_start3A_198 : memref<1x64xf32, #tpu.memory_space<vmem>> -> memref<64xf32, #tpu.memory_space<vmem>>
      tpu.enqueue_dma source(%dma_start3A_199 : memref<64xf32, #tpu.memory_space<vmem>>) target(%dma_start3A_196 : memref<64xf32, #tpu.memory_space<hbm>>) target_semaphore(%run_scoped3A_188 : memref<!tpu.dma_semaphore, #tpu.memory_space<semaphore_mem>>)
      %dma_wait3A = arith.constant 0 : i32
      %dma_wait3A_200 = tpu.memref_slice %arg10[%run_scoped3A, %dma_wait3A] : memref<4x64xf32, #tpu.memory_space<vmem>> -> memref<1x64xf32, #tpu.memory_space<vmem>>
      %dma_wait3A_201 = tpu.memref_squeeze %dma_wait3A_200 : memref<1x64xf32, #tpu.memory_space<vmem>> -> memref<64xf32, #tpu.memory_space<vmem>>
      %dma_wait3A_202 = arith.constant 0 : i32
      %dma_wait3A_203 = tpu.memref_slice %arg5[%add3A, %dma_wait3A_202] : memref<32x64xf32, #tpu.memory_space<hbm>> -> memref<1x64xf32, #tpu.memory_space<hbm>>
      %dma_wait3A_204 = tpu.memref_squeeze %dma_wait3A_203 : memref<1x64xf32, #tpu.memory_space<hbm>> -> memref<64xf32, #tpu.memory_space<hbm>>
      %dma_wait3A_205 = arith.constant 0 : i32
      %dma_wait3A_206 = tpu.memref_slice %arg5[%add3A, %dma_wait3A_205] : memref<32x64xf32, #tpu.memory_space<hbm>> -> memref<1x64xf32, #tpu.memory_space<hbm>>
      %dma_wait3A_207 = tpu.memref_squeeze %dma_wait3A_206 : memref<1x64xf32, #tpu.memory_space<hbm>> -> memref<64xf32, #tpu.memory_space<hbm>>
      %dma_wait3A_208 = arith.constant 0 : i32
      %dma_wait3A_209 = tpu.memref_slice %arg10[%run_scoped3A, %dma_wait3A_208] : memref<4x64xf32, #tpu.memory_space<vmem>> -> memref<1x64xf32, #tpu.memory_space<vmem>>
      %dma_wait3A_210 = tpu.memref_squeeze %dma_wait3A_209 : memref<1x64xf32, #tpu.memory_space<vmem>> -> memref<64xf32, #tpu.memory_space<vmem>>
      tpu.wait_dma2 semaphore(%run_scoped3A_188 : memref<!tpu.dma_semaphore, #tpu.memory_space<semaphore_mem>>) src(%dma_wait3A_210 : memref<64xf32, #tpu.memory_space<vmem>>) dst(%dma_wait3A_207 : memref<64xf32, #tpu.memory_space<hbm>>)
      tpu.yield
    }) : () -> ()
    "tpu.region"() ({
      %run_scoped3A_188 = tpu.sem_alloc : memref<!tpu.dma_semaphore, #tpu.memory_space<semaphore_mem>>
      %dma_start3A = arith.constant 0 : i32
      %dma_start3A_189 = tpu.memref_slice %arg6[%add3A, %dma_start3A] : memref<32x64xf32, #tpu.memory_space<hbm>> -> memref<1x64xf32, #tpu.memory_space<hbm>>
      %dma_start3A_190 = tpu.memref_squeeze %dma_start3A_189 : memref<1x64xf32, #tpu.memory_space<hbm>> -> memref<64xf32, #tpu.memory_space<hbm>>
      %dma_start3A_191 = arith.constant 0 : i32
      %dma_start3A_192 = tpu.memref_slice %arg6[%add3A, %dma_start3A_191] : memref<32x64xf32, #tpu.memory_space<hbm>> -> memref<1x64xf32, #tpu.memory_space<hbm>>
      %dma_start3A_193 = tpu.memref_squeeze %dma_start3A_192 : memref<1x64xf32, #tpu.memory_space<hbm>> -> memref<64xf32, #tpu.memory_space<hbm>>
      tpu.enqueue_dma source(%arg11 : memref<64xf32, #tpu.memory_space<vmem>>) target(%dma_start3A_193 : memref<64xf32, #tpu.memory_space<hbm>>) target_semaphore(%run_scoped3A_188 : memref<!tpu.dma_semaphore, #tpu.memory_space<semaphore_mem>>)
      %dma_wait3A = arith.constant 0 : i32
      %dma_wait3A_194 = tpu.memref_slice %arg6[%add3A, %dma_wait3A] : memref<32x64xf32, #tpu.memory_space<hbm>> -> memref<1x64xf32, #tpu.memory_space<hbm>>
      %dma_wait3A_195 = tpu.memref_squeeze %dma_wait3A_194 : memref<1x64xf32, #tpu.memory_space<hbm>> -> memref<64xf32, #tpu.memory_space<hbm>>
      %dma_wait3A_196 = arith.constant 0 : i32
      %dma_wait3A_197 = tpu.memref_slice %arg6[%add3A, %dma_wait3A_196] : memref<32x64xf32, #tpu.memory_space<hbm>> -> memref<1x64xf32, #tpu.memory_space<hbm>>
      %dma_wait3A_198 = tpu.memref_squeeze %dma_wait3A_197 : memref<1x64xf32, #tpu.memory_space<hbm>> -> memref<64xf32, #tpu.memory_space<hbm>>
      tpu.wait_dma2 semaphore(%run_scoped3A_188 : memref<!tpu.dma_semaphore, #tpu.memory_space<semaphore_mem>>) src(%arg11 : memref<64xf32, #tpu.memory_space<vmem>>) dst(%dma_wait3A_198 : memref<64xf32, #tpu.memory_space<hbm>>)
      tpu.yield
    }) : () -> ()
    return
  }
}

module attributes {stable_mosaic.version = 14 : i64} {
  func.func @_loss_body(%arg0: memref<32x64xf32, #tpu.memory_space<vmem>>, %arg1: memref<32x64xf32, #tpu.memory_space<vmem>>, %arg2: memref<1xf32, #tpu.memory_space<smem>>) attributes {dimension_semantics = [], scalar_prefetch = 0 : i64, scratch_operands = 0 : i64, tpu.core_type = #tpu.core_type<tc>} {
    %get3A = arith.constant 0 : index
    %get3A_0 = arith.constant 0 : index
    %get3A_1 = vector.load %arg0[%get3A, %get3A_0] : memref<32x64xf32, #tpu.memory_space<vmem>>, vector<32x64xf32>
    %reduce_sum3A = arith.constant dense<0.000000e+00> : vector<64xf32>
    %reduce_sum3A_2 = vector.multi_reduction <add>, %get3A_1, %reduce_sum3A [0] : vector<32x64xf32> to vector<64xf32>
    %get3A_3 = arith.constant 0 : index
    %get3A_4 = arith.constant 0 : index
    %get3A_5 = vector.load %arg1[%get3A_3, %get3A_4] : memref<32x64xf32, #tpu.memory_space<vmem>>, vector<32x64xf32>
    %reduce_sum3A_6 = arith.constant dense<0.000000e+00> : vector<64xf32>
    %reduce_sum3A_7 = vector.multi_reduction <add>, %get3A_5, %reduce_sum3A_6 [0] : vector<32x64xf32> to vector<64xf32>
    %mul3A = arith.mulf %reduce_sum3A_2, %reduce_sum3A_7 : vector<64xf32>
    %reduce_sum3A_8 = vector.shape_cast %mul3A : vector<64xf32> to vector<1x64xf32>
    %reduce_sum3A_9 = arith.constant dense<0.000000e+00> : vector<1xf32>
    %reduce_sum3A_10 = vector.multi_reduction <add>, %reduce_sum3A_8, %reduce_sum3A_9 [1] : vector<1x64xf32> to vector<1xf32>
    %reduce_sum3A_11 = vector.shape_cast %reduce_sum3A_10 : vector<1xf32> to vector<1x1xf32>
    %reduce_sum3A_12 = vector.extract %reduce_sum3A_11[0, 0] : f32 from vector<1x1xf32>
    %mul3A_13 = arith.constant 1.1920929E-7 : f32
    %mul3A_14 = arith.mulf %mul3A_13, %reduce_sum3A_12 : f32
    %swap3A = arith.constant 0 : index
    %swap3A_15 = memref.load %arg2[%swap3A] : memref<1xf32, #tpu.memory_space<smem>>
    memref.store %mul3A_14, %arg2[%swap3A] : memref<1xf32, #tpu.memory_space<smem>>
    return
  }
}

</mosaic_0001>

<sc_bundles>
// kernel: kernel.4.cloned.1.call-start
scs
__scs_entry_jumppad:
0x0: {  	(pc) =	sbr.rel $0x88, $3  }
0x1: {  	(tag) =	ssettag $0x0;
	lr =	simm.s32 $0x1  }
0x2: {  	[smem:$0x3FA0] =	sst lr;
	_ =	strace $0xD0000000  }
0x3: {  	_ = 	snop  }
0x4: {  	_ = 	snop  }
0x5: {  	_ = 	snop  }
0x6: {  	_ = 	snop  }
0x7: {  	_ = 	snop  }
__scs_overlays_trampoline_lowered:
0x8: {  	[smem:$0x3FAF] =	sst s0  }
0x9: {  	[smem:$0x3FB0] =	sst s1  }
0xa: {  	[smem:$0x3FB1] =	sst s2  }
0xb: {  	[smem:$0x3FB2] =	sst s3  }
0xc: {  	[smem:$0x3FB3] =	sst s4  }
0xd: {  	[smem:$0x3FB4] =	sst s5  }
0xe: {  	[smem:$0x3FB5] =	sst s6  }
0xf: {  	[smem:$0x3FB6] =	sst s7  }
0x10: {  	[smem:$0x3FB7] =	sst s8  }
0x11: {  	[smem:$0x3FB8] =	sst s9;
	s0 =	simm.s32 @!p0 $0x0  }
0x12: {  	s1 =	sld [smem:$0x3F9E];
	s0 =	simm.s32 @p0 $0x1  }
0x13: {  	[smem:$0x3FB9] =	sst s0;
	s0 =	simm.s32 @!p1 $0x0  }
0x14: {  	s2 =	sld [smem:$0x3F9D];
	s0 =	simm.s32 @p1 $0x1  }
0x15: {  	[smem:$0x3FBA] =	sst s0;
	s0 =	simm.s32 @!p2 $0x0  }
0x16: {  	s3 =	sld [smem:$0x3FDB];
	s0 =	simm.s32 @p2 $0x1  }
0x17: {  	s4 =	simm.s32 $0x1BF5;
	[smem:$0x3FBC] =	sst s0  }
0x18: {  	s0 =	sld [smem:$0x3F9F];
	_ =	swait.ge [sflag:s4], $0x0  }
0x19: {  	s7 =	sld [smem:$0x3FA0]  }
0x1a: {  	s8 =	sadd.s32 $0xFFFFE003, lr  }
0x1b: {  	s9 =	sadd.s32 $0xFFFFFEF7, lr;
	s5 =	simm.s32 $0xFFFFFFFF;
	p2 =	slt.u32 s8, $0xFFFFF086  }
0x1c: {  	p1 =	slt.u32 s9, $0xF7A;
	s5 =	simm.s32 @!p2 $0x0  }
0x1d: {  	s5 =	simm.s32 @p1 $0x1;
	p0 =	seq.s32 s7, s2  }
0x1e: {  	s7 =	smul.u32 @!p0 $0xF7A, s2;
	p2 =	seq.s32 @!p0 s5, $0x0  }
0x1f: {  	s9 =	smul.u32 $0xF7A, s1;
	s8 =	simm.s32 @!p0 $0x1BF5;
	p2 =	por !p2, p0  }
0x20: {  	[sflag:s8] =	ssyncset.s32 @!p0 $0xFFFFF086;
	s6 =	sadd.s32 @!p0 s3, s7;
	s7 =	simm.s32 @!p0 $0x108  }
0x21: {  	s3 =	sadd.s32 s3, s9;
	s6 =	sadd.s32 @!p0 $0x88, s6;
	s7 =	simm.s32 @p2 $0x1082  }
0x22: {  	[simem:s7], [sflag:s8] =	dma.local @!p0 [hbm:s6], $0xF7A  }
0x23: {  	s9 =	sor.u32 $0xD0000000, s2;
	s6 =	simm.s32 $0x108;
	_ =	swait.ge @!p0 [sflag:s8], $0x0  }
0x24: {  	s3 =	sadd.s32 $0x88, s3;
	s6 =	simm.s32 @!p1 $0x1082;
	[sflag:s4] =	ssyncset.s32 $0xFFFFF086  }
0x25: {  	[simem:s6], [sflag:s4] =	dma.local [hbm:s3], $0xF7A  }
0x26: {  	[smem:$0x3FA0] =	sst s1;
	(tag) =	ssettag s2;
	_ =	strace s9  }
0x27: {  	s1 =	sld [smem:$0x3FB0]  }
0x28: {  	s2 =	sld [smem:$0x3FB1]  }
0x29: {  	s4 =	sld [smem:$0x3FB3]  }
0x2a: {  	p0 =	seq.s32 s5, $0x0;
	s5 =	sld [smem:$0x3FB4]  }
0x2b: {  	s6 =	sld [smem:$0x3FB5]  }
0x2c: {  	s7 =	sld [smem:$0x3FB6]  }
0x2d: {  	s3 =	simm.s32 $0x108;
	s8 =	sld [smem:$0x3FB7]  }
0x2e: {  	s3 =	simm.s32 @!p0 $0x1082;
	s9 =	sld [smem:$0x3FB8]  }
0x2f: {  	lr =	sadd.s32 s0, s3;
	s0 =	sld [smem:$0x3FAF]  }
0x30: {  	s3 =	sld [smem:$0x3FB2]  }
0x31: {  	[smem:$0x3FBB] =	sst s10  }
0x32: {  	s10 =	sld [smem:$0x3FB9];
	_ =	sdelay $0x3  }
0x33: {  	p0 =	seq.s32 s10, $0x1;
	s10 =	sld [smem:$0x3FBB];
	_ =	sdelay $0x3  }
0x34: {  	[smem:$0x3FBB] =	sst s10  }
0x35: {  	s10 =	sld [smem:$0x3FBA];
	_ =	sdelay $0x3  }
0x36: {  	p1 =	seq.s32 s10, $0x1;
	s10 =	sld [smem:$0x3FBB];
	_ =	sdelay $0x3  }
0x37: {  	[smem:$0x3FBB] =	sst s10  }
0x38: {  	s10 =	sld [smem:$0x3FBC]  }
0x39: {  	_ = 	snop;
	(pc) =	sbr.ind lr, $3  }
0x3a: {  	_ = 	snop  }
0x3b: {  	_ = 	snop  }
0x3c: {  	p2 =	seq.s32 s10, $0x1;
	s10 =	sld [smem:$0x3FBB]  }
0x3d: {  	_ =	shalt  }
0x3e: {  	_ =	shalt  }
0x3f: {  	_ =	shalt  }
0x40: {  	_ =	shalt  }
0x41: {  	_ =	shalt  }
0x42: {  	_ =	shalt  }
0x43: {  	_ =	shalt  }
0x44: {  	_ =	shalt  }
0x45: {  	_ =	shalt  }
0x46: {  	_ =	shalt  }
0x47: {  	_ =	shalt  }
0x48: {  	_ =	shalt  }
0x49: {  	_ =	shalt  }
0x4a: {  	_ =	shalt  }
0x4b: {  	_ =	shalt  }
0x4c: {  	_ =	shalt  }
0x4d: {  	_ =	shalt  }
0x4e: {  	_ =	shalt  }
0x4f: {  	_ =	shalt  }
0x50: {  	_ =	shalt  }
0x51: {  	_ =	shalt  }
0x52: {  	_ =	shalt  }
0x53: {  	_ =	shalt  }
0x54: {  	_ =	shalt  }
0x55: {  	_ =	shalt  }
0x56: {  	_ =	shalt  }
0x57: {  	_ =	shalt  }
0x58: {  	_ =	shalt  }
0x59: {  	_ =	shalt  }
0x5a: {  	_ =	shalt  }
0x5b: {  	_ =	shalt  }
0x5c: {  	_ =	shalt  }
0x5d: {  	_ =	shalt  }
0x5e: {  	_ =	shalt  }
0x5f: {  	_ =	shalt  }
0x60: {  	_ =	shalt  }
0x61: {  	_ =	shalt  }
0x62: {  	_ =	shalt  }
0x63: {  	_ =	shalt  }
0x64: {  	_ =	shalt  }
0x65: {  	_ =	shalt  }
0x66: {  	_ =	shalt  }
0x67: {  	_ =	shalt  }
0x68: {  	_ =	shalt  }
0x69: {  	_ =	shalt  }
0x6a: {  	_ =	shalt  }
0x6b: {  	_ =	shalt  }
0x6c: {  	_ =	shalt  }
0x6d: {  	_ =	shalt  }
0x6e: {  	_ =	shalt  }
0x6f: {  	_ =	shalt  }
0x70: {  	_ =	shalt  }
0x71: {  	_ =	shalt  }
0x72: {  	_ =	shalt  }
0x73: {  	_ =	shalt  }
0x74: {  	_ =	shalt  }
0x75: {  	_ =	shalt  }
0x76: {  	_ =	shalt  }
0x77: {  	_ =	shalt  }
0x78: {  	_ =	shalt  }
0x79: {  	_ =	shalt  }
0x7a: {  	_ =	shalt  }
0x7b: {  	_ =	shalt  }
0x7c: {  	_ =	shalt  }
0x7d: {  	_ =	shalt  }
0x7e: {  	_ =	shalt  }
0x7f: {  	_ =	shalt  }
0x80: {  	_ =	shalt  }
0x81: {  	_ =	shalt  }
0x82: {  	_ =	shalt  }
0x83: {  	_ =	shalt  }
0x84: {  	_ =	shalt  }
0x85: {  	_ =	shalt  }
0x86: {  	_ =	shalt  }
0x87: {  	_ =	shalt  }
.Lfunc_end0:
.L_simem_size_0:
called_computation_lowered:
.L_overlay_start_0:
0x88: {  	s2 =	sld [smem:$0x3FD9]  }
0x89: {  	s3 =	sld [smem:$0x3FFE];
	_ =	sdelay $0x1  }
0x8a: {  	s1 =	srdreg.scid  }
0x8b: {  	s0 =	sand.u32 $0x1, s1  }
0x8c: {  	s14 =	sshll.u32 s0, $0xA;
	s2 =	sadd.s32 s3, s2  }
0x8d: {  	s2 =	sadd.s32 s2, s14  }
0x8e: {  	[smem:$0x3FC7] =	sst s2  }
0x8f: {  	_ = 	snop  }
0x90: {  	s2 =	sld [smem:$0x3FD0];
	_ =	sdelay $0x2  }
0x91: {  	s15 =	simm.s32 $0xA;
	s4 =	simm.s32 $0x10  }
0x92: {  	[smem:s4], [sflag:s15] =	dma.local [hbm:s2], $0x1  }
0x93: {  	_ =	swait.eq [sflag:s15], $0x1  }
0x94: {  	[sflag:s15] =	ssyncset.done $0x0  }
0x95: {  	s16 =	sld [smem:$0x10];
	[sflag:s15] =	ssyncadd.s32 $0xFFFFFFFF  }
0x96: {  	s17 =	sld [smem:$0x12];
	(tm) =	ssettm $0x1  }
0x97: {  	s18 =	sld [smem:$0x3FFB];
	_ =	sdelay $0x3  }
0x98: {  	_ =	strace s18  }
0x99: {  	s4 =	sld [smem:$0x3FFC];
	_ =	sdelay $0x3  }
0x9a: {  	_ =	strace s4  }
0x9b: {  	s4 =	sld [smem:$0x3FFD];
	_ =	sdelay $0x3  }
0x9c: {  	_ =	strace s4  }
0x9d: {  	_ =	strace $0x8FFFFFFF  }
0x9e: {  	s19 =	sld [smem:$0x3FDB];
	_ =	sdelay $0x1  }
0x9f: {  	s5 =	simm.s32 $_scs_section_size  }
0xa0: {  	s6 =	simm.s32 $_size__tile_overlayer_lowered;
	s7 =	simm.s32 $_tile_overlayer_lowered  }
0xa1: {  	s22 =	simm.s32 $0x1BFF;
	s21 =	sshll.u32 s7, $0x1;
	s4 =	sadd.s32 s5, s19  }
0xa2: {  	s8 =	simm.s32 $0x0;
	s20 =	sshll.u32 s6, $0x1;
	s6 =	sadd.s32 s21, s4  }
0xa3: {  	[timem:s8], [sflag:s22] =	dma.local [hbm:s6], s20  }
0xa4: {  	_ =	swait.ge [sflag:s22], s20  }
0xa5: {  	s5 =	ssub.s32 $0x0, s20;
	[sflag:s22] =	ssyncset.done $0x0  }
0xa6: {  	[sflag:s22] =	ssyncadd.s32 s5;
	_ =	sdelay $0x1  }
0xa7: {  	s23 =	simm.s32 $0x1B8B  }
0xa8: {  	_ =	swait.ge [sflag:s23], $0x1  }
0xa9: {  	[sflag:s23] =	ssyncset.done $0x0  }
0xaa: {  	s25 =	simm.s32 $0x1B8E;
	s24 =	sld [smem:$0x3FFE];
	[sflag:s23] =	ssyncadd.s32 $0xFFFFFFFF  }
0xab: {  	s26 =	simm.s32 $execute0_lowered;
	[smem:$0x3FD2] =	sst s25  }
0xac: {  	s6 =	sshll.u32 s26, $0x1;
	_ =	strace $0x80000046;
	[dreg:$0x1] =	wrdreg $0xFFFFFFFF  }
0xad: {  	s28 =	simm.s32 $_size_execute0_lowered;
	s4 =	sadd.s32 s4, s6;
	[dreg:$0x0] =	wrdreg $0x0  }
0xae: {  	s6 =	sshll.u32 s28, $0x1;
	[dreg:$0x2] =	wrdreg s4  }
0xaf: {  	[dreg:$0x3] =	wrdreg s6  }
0xb0: {  	[dreg:$0x4] =	wrdreg $0xC0  }
0xb1: {  	_ =	task [dreg:s8], $0x5FFFF  }
0xb2: {  	[dreg:$0x1] =	wrdreg $0xFFFFFFFF  }
0xb3: {  	[dreg:$0x0] =	wrdreg $0x60  }
0xb4: {  	[dreg:$0x2] =	wrdreg s24  }
0xb5: {  	[dreg:$0x3] =	wrdreg s16  }
0xb6: {  	[dreg:$0x4] =	wrdreg s17  }
0xb7: {  	[dreg:$0x5] =	wrdreg $0x9  }
0xb8: {  	_ =	task.clear_ibuf [dreg:s8], $0x6FFFF;
	_ =	strace $0x90000046  }
0xb9: {  	s29 =	simm.s32 $0x9;
	_ =	strace $0x80000048  }
0xba: {  	_ =	swait.ge [sflag:s29], $0x1  }
0xbb: {  	[sflag:s29] =	ssyncadd.s32 $0xFFFFFFFF  }
0xbc: {  	_ =	strace $0x90000048  }
0xbd: {  	_ =	sfence  }
0xbe: {  	s30 =	sld [smem:$0x0];
	_ =	sdelay $0x2  }
0xbf: {  	s31 =	sshll.u32 s1, $0xD;
	s1 =	sshrl.u32 s1, $0x2  }
0xc0: {  	s3 =	sand.u32 $0x4000, s31;
	s1 =	sadd.s32 s1, s30  }
0xc1: {  	s0 =	sor.u32 s3, s0;
	s1 =	sshll.u32 s1, $0x11  }
0xc2: {  	s0 =	sor.u32 s1, s0  }
0xc3: {  	s0 =	sadd.s32 $0x8F2B, s0  }
0xc4: {  	[sflag:s0] =	ssyncadd.remote.s32 $0x1  }
0xc5: {  	_ =	sfence.sel $0xFFFF  }
0xc6: {  	[dreg:$0x0] =	wrdreg $0xFFFFFFFF;
	(pc) =	sbr.abs _section_cstart, $3  }
0xc7: {  	[dreg:$0x1] =	wrdreg $0xFFFFFFFF  }
0xc8: {  	_ =	task.clear_ibuf [dreg:s8], $0x2FFFF;
	_ =	strace $0x9FFFFFFF  }
0xc9: {  	(tm) =	ssettm $0x7FFFFFFF  }
tec
execute0_lowered:
.L_overlay_start_1:
0x0: {  	(tag) =	ssettag $0x1  }
0x1: {  	v1 =	vimm.s32 $0xFEDCBA98;
	v0 =	vlaneseq.u32;
	v5 =	vimm.s32 $0x76543210  }
0x2: {  	s3 =	rddreg [dreg:$0x0];
	v7 =	vimm.s32 $0x32107654;
	v8 =	vimm.s32 $0xDCFE98BA;
	v9 =	vimm.s32 $0x54761032  }
0x3: {  	s4 =	rddreg [dreg:$0x1];
	v10 =	vimm.s32 $0xEFCDAB89;
	v11 =	vimm.s32 $0x67452301;
	vm0 =	vmmov $0xff  }
0x4: {  	s5 =	rddreg [dreg:$0x2];
	s1 =	simm.s32 $0x0;
	s2 =	srdreg.scid;
	v4 =	vunpack.c.l.s4.s8 v1;
	v1 =	vor.u32 $0x10, v0;
	v2 =	vor.u32 $0x20, v0  }
0x5: {  	s0 =	stileid.u32;
	s11 =	simm.s32 $0x8800;
	s12 =	simm.s32 $0x9000;
	v3 =	vor.u32 $0x30, v0;
	v5 =	vunpack.c.l.s4.s8 v5;
	v7 =	vunpack.c.l.s4.s8 v7  }
0x6: {  	s13 =	simm.s32 $0x9080;
	s14 =	simm.s32 $0x9100;
	s15 =	simm.s32 $0x9180;
	v8 =	vunpack.c.l.s4.s8 v8;
	v9 =	vunpack.c.l.s4.s8 v9;
	v10 =	vunpack.c.l.s4.s8 v10  }
0x7: {  	s16 =	simm.s32 $0x9200;
	s17 =	simm.s32 $0x0;
	[smem:$0x7FF] =	sst s1;
	v11 =	vunpack.c.l.s4.s8 v11;
	v6 =	vunpack.c.0.s8.s32 v4;
	v4 =	vimm.s32 $0xBA98FEDC  }
0x8: {  	s6 =	sand.u32 $0x1, s2;
	s7 =	sshll.u32 s0, $0x1;
	s2 =	rddreg [dreg:$0x3];
	v7 =	vunpack.c.0.s8.s32 v7;
	v8 =	vunpack.c.0.s8.s32 v8;
	v4 =	vunpack.c.l.s4.s8 v4  }
0x9: {  	s7 =	sor.u32 s6, s7;
	_ =	strace $0x80000047;
	s6 =	ssub.s32 $0x2, s6;
	v9 =	vunpack.c.0.s8.s32 v9;
	v10 =	vunpack.c.0.s8.s32 v10;
	v11 =	vunpack.c.0.s8.s32 v11  }
0xa: {  	s8 =	sshll.u32 s7, $0xC;
	s9 =	sshll.u32 s7, $0x4;
	s10 =	sshrl.u32 s6, $0x1;
	v13 =	vunpack.c.0.s8.s32 v5;
	v5 =	vimm.s32 $0x0;
	v12 =	vunpack.c.0.s8.s32 v4  }
0xb: {  	s31 =	sshll.u32 s7, $0x8;
	s8 =	sadd.s32 s8, s3;
	s9 =	sadd.s32 s9, s3;
	v6 =	vand.u32 $0xF, v6;
	v8 =	vcombine.low v9, v8;
	v9 =	vcombine.low v11, v10  }
0xc: {  	s10 =	ssub.s32 s6, s10;
	s4 =	sadd.s32 s4, s31;
	s5 =	sadd.s32 s5, s31;
	v10 =	vshrl.u32 v0, $0x3;
	v4 =	vand.u32 $0x7, v0;
	v7 =	vcombine.low v7, v12  }
0xd: {  	s3 =	sadd.s32 $0xC00, s8;
	s6 =	sadd.s32 $0x20C00, s9;
	s7 =	sadd.s32 $0x20E00, s9;
	v6 =	vcombine.low v6, v13;
	v8 =	vand.u32 $0xF, v8;
	v9 =	vand.u32 $0xF, v9  }
0xe: {  	s8 =	smax.u32 s10, $0x1;
	s9 =	simm.s32 $0x1;
	s10 =	simm.s32 $0x8000;
	v11 =	vmul.u32 $0x80, v4;
	v12 =	vimm.f32 $1.000000000e+00;
	v7 =	vand.u32 $0xF, v7  }
.LBB2_1:
0xf: {  	[tilespmem:s1], [sflag:$0x1] =	stream.linear.gather [hbm4b:s3+s1], $0x8000, $0x38;
	[tilespmem:$0x9280] =	vst v63  }
0x10: {  	_ =	swait.ge [sflag:s9], $0x8000  }
0x11: {  	[sflag:s9] =	ssyncset.done $0x0  }
0x12: {  	v29 =	vimm.f32 $0.0e+00;
	[sflag:s9] =	ssyncadd.s32 $0xFFFF8000  }
0x13: {  	[tilespmem:$0x9000] =	vst v29  }
0x14: {  	[tilespmem:$0x9010] =	vst v29  }
0x15: {  	[tilespmem:$0x9020] =	vst v29  }
0x16: {  	[tilespmem:$0x9030] =	vst v29  }
0x17: {  	[tilespmem:$0x9080] =	vst v29  }
0x18: {  	[tilespmem:$0x9090] =	vst v29  }
0x19: {  	[tilespmem:$0x90A0] =	vst v29  }
0x1a: {  	[tilespmem:$0x90B0] =	vst v29  }
0x1b: {  	[tilespmem:$0x9100] =	vst v29  }
0x1c: {  	[tilespmem:$0x9110] =	vst v29  }
0x1d: {  	[tilespmem:$0x9120] =	vst v29  }
0x1e: {  	[tilespmem:$0x9130] =	vst v29  }
0x1f: {  	[tilespmem:$0x9180] =	vst v29  }
0x20: {  	[tilespmem:$0x9190] =	vst v29  }
0x21: {  	[tilespmem:$0x91A0] =	vst v29  }
0x22: {  	s18 =	simm.s32 $0x80;
	[tilespmem:$0x91B0] =	vst v29  }
0x23: {  	v13 =	vld [tilespmem:s18+$0xFFFFFFA0]  }
0x24: {  	v16 =	vld [tilespmem:s18+$0x0]  }
0x25: {  	v17 =	vld [tilespmem:s18+$0xFFFFFFB0]  }
0x26: {  	v18 =	vld [tilespmem:s18+$0x10]  }
0x27: {  	v22 =	vld [tilespmem:s18+$0x20]  }
0x28: {  	v23 =	vld [tilespmem:s18+$0x30];
	(xrf1) =	vsort.dscd.msk.f32 $0xffff, v13, v2  }
0x29: {  	(xrf1) =	vsort.dscd.msk.f32 $0xffff, v16, v0  }
0x2a: {  	(xrf1) =	vsort.dscd.msk.f32 $0xffff, v17, v3  }
0x2b: {  	(xrf1) =	vsort.dscd.msk.f32 $0xffff, v18, v1  }
0x2c: {  	(xrf1) =	vsort.dscd.msk.f32 $0xffff, v22, v2  }
0x2d: {  	(xrf1) =	vsort.dscd.msk.f32 $0xffff, v23, v3;
	_ =	sdelay $0x1  }
0x2e: {  	v30 =	vld [tilespmem:s18+$0xFFFFFF90];
	_ =	sdelay $0x1  }
0x2f: {  	v19 =	vld [tilespmem:s18+$0xFFFFFF80];
	_ =	sdelay $0x2  }
0x30: {  	(xrf1) =	vsort.dscd.msk.f32 $0xffff, v30, v1  }
0x31: {  	s30 =	simm.s32 $0x180  }
0x32: {  	v14 =	vld [tilespmem:s30+$0xFFFFFFA0];
	(xrf1) =	vsort.dscd.msk.f32 $0xffff, v19, v0;
	v15, v20, _ =	vpop (xrf1)  }
0x33: {  	v21, v24, _ =	vpop (xrf1)  }
0x34: {  	v25, v26, _ =	vpop (xrf1)  }
0x35: {  	v27, v28, _ =	vpop (xrf1)  }
0x36: {  	v25 =	vperm.xlane v25, v4;
	v31, v32, _ =	vpop (xrf1)  }
0x37: {  	(xrf1) =	vsort.dscd.msk.f32 $0xffff, v14, v2;
	v26 =	vperm.xlane v26, v4;
	v27 =	vperm.xlane v27, v4;
	v33, v34, _ =	vpop (xrf1)  }
0x38: {  	v28 =	vperm.xlane v28, v4;
	v15 =	vsel vm0, v15, v25;
	v34 =	vperm.xlane v34, v4  }
0x39: {  	v20 =	vsel vm0, v20, v26;
	v33 =	vperm.xlane v33, v4;
	v21 =	vsel vm0, v21, v27  }
0x3a: {  	v24 =	vsel vm0, v24, v28;
	(xrf1) =	vsort.dscd.msk.f32 $0xffff, v15, v20;
	v20 =	vsel vm0, v32, v34  }
0x3b: {  	(xrf1) =	vsort.dscd.msk.f32 $0xffff, v21, v24;
	v15 =	vsel vm0, v31, v33  }
0x3c: {  	(xrf1) =	vsort.dscd.msk.f32 $0xffff, v15, v20;
	_ =	sdelay $0x1  }
0x3d: {  	v15, v20, _ =	vpop (xrf1)  }
0x3e: {  	v15 =	vperm.xlane v15, v4;
	v20 =	vperm.xlane v20, v4  }
0x3f: {  	v21, v24, _ =	vpop (xrf1)  }
0x40: {  	v15 =	vsel vm0, v21, v15;
	v20 =	vsel vm0, v24, v20  }
0x41: {  	v28 =	vld [tilespmem:s30+$0x0];
	(xrf1) =	vsort.dscd.msk.f32 $0xffff, v15, v20  }
0x42: {  	v20 =	vld [tilespmem:s30+$0xFFFFFFB0]  }
0x43: {  	v27 =	vld [tilespmem:s30+$0x10]  }
0x44: {  	v25 =	vld [tilespmem:s30+$0x20]  }
0x45: {  	v24 =	vld [tilespmem:s30+$0x30]  }
0x46: {  	v21, v48, _ =	vpop (xrf1);
	(xrf1) =	vsort.dscd.msk.f32 $0xffff, v28, v0  }
0x47: {  	v15, v31, _ =	vpop (xrf1);
	(xrf1) =	vsort.dscd.msk.f32 $0xffff, v20, v3  }
0x48: {  	v49, v50, _ =	vpop (xrf1);
	(xrf1) =	vsort.dscd.msk.f32 $0xffff, v27, v1  }
0x49: {  	v26, v35, _ =	vpop (xrf1);
	(xrf1) =	vsort.dscd.msk.f32 $0xffff, v25, v2  }
0x4a: {  	v36 =	vperm.xlane v26, v4;
	v35 =	vperm.xlane v35, v4;
	(xrf1) =	vsort.dscd.msk.f32 $0xffff, v24, v3  }
0x4b: {  	v26 =	vld [tilespmem:s30+$0xFFFFFF90]  }
0x4c: {  	v33 =	vsel vm0, v49, v36;
	v34 =	vsel vm0, v50, v35  }
0x4d: {  	(xrf1) =	vsort.dscd.msk.f32 $0xffff, v33, v34  }
0x4e: {  	v15 =	vperm.xlane v15, v4;
	v51 =	vperm.xlane v31, v4  }
0x4f: {  	v31 =	vld [tilespmem:s30+$0xFFFFFF80];
	v52, v35, _ =	vpop (xrf1)  }
0x50: {  	(xrf1) =	vsort.dscd.msk.f32 $0xffff, v26, v1;
	v15 =	vsel vm0, v52, v15;
	v33 =	vsel vm0, v35, v51  }
0x51: {  	(xrf1) =	vsort.dscd.msk.f32 $0xffff, v15, v33;
	_ =	sdelay $0x2  }
0x52: {  	s31 =	simm.s32 $0x280;
	v54, v53, _ =	vpop (xrf1);
	(xrf1) =	vsort.dscd.msk.f32 $0xffff, v31, v0  }
0x53: {  	v15 =	vld [tilespmem:s31+$0xFFFFFFA0];
	v56, v55, _ =	vpop (xrf1)  }
0x54: {  	v37, v38, _ =	vpop (xrf1)  }
0x55: {  	v35 =	vperm.xlane v56, v4;
	v39, v40, _ =	vpop (xrf1)  }
0x56: {  	v36 =	vperm.xlane v55, v4;
	v37 =	vperm.xlane v37, v4;
	v41, v42, _ =	vpop (xrf1)  }
0x57: {  	v38 =	vperm.xlane v38, v4;
	v42 =	vperm.xlane v42, v4  }
0x58: {  	(xrf1) =	vsort.dscd.msk.f32 $0xffff, v15, v2;
	v21 =	vsel vm0, v21, v35;
	v32 =	vsel vm0, v48, v36  }
0x59: {  	v41 =	vperm.xlane v41, v4;
	(xrf1) =	vsort.dscd.msk.f32 $0xffff, v21, v32;
	v58, v59, _ =	vpop (xrf1);
	v21 =	vsel vm0, v40, v42  }
0x5a: {  	v33 =	vsel vm0, v54, v37;
	v34 =	vsel vm0, v53, v38;
	v60 =	vperm.xlane v58, v5  }
0x5b: {  	(xrf1) =	vsort.dscd.msk.f32 $0xffff, v33, v34;
	v57 =	vsel vm0, v39, v41  }
0x5c: {  	(xrf1) =	vsort.dscd.msk.f32 $0xffff, v57, v21;
	v21, v61, _ =	vpop (xrf1);
	v16 =	vsub.f32 v16, v60  }
0x5d: {  	v63, v62, _ =	vpop (xrf1)  }
0x5e: {  	v18 =	vsub.f32 v18, v60;
	v16 =	vmul.f32 $1.442695020e+00, v16;
	v43 =	vperm.xlane v63, v5  }
0x5f: {  	v48 =	vperm.xlane v21, v4;
	v32 =	vperm.xlane v61, v4  }
0x60: {  	v51 =	vmul.f32 $1.442695020e+00, v18;
	v49, v50, _ =	vpop (xrf1);
	(erf) = vpow2.f32 v16;
	v17 =	vsub.f32 v17, v43  }
0x61: {  	v21 =	vld [tilespmem:s31+$0x0];
	v16 =	vsel vm0, v49, v48;
	v13 =	vsub.f32 v13, v43;
	v52 =	vsub.f32 v19, v43  }
0x62: {  	v18 =	vld [tilespmem:s31+$0xFFFFFFB0];
	(erf) = vpow2.f32 v51;
	v30 =	vsub.f32 v30, v43;
	v53 =	vmul.f32 $1.442695020e+00, v17  }
0x63: {  	v32 =	vsel vm0, v50, v32;
	v13 =	vmul.f32 $1.442695020e+00, v13;
	v33 =	vmul.f32 $1.442695020e+00, v52  }
0x64: {  	v54 =	vsub.f32 v22, v60;
	v19 =	vld [tilespmem:s31+$0x10];
	(xrf1) =	vsort.dscd.msk.f32 $0xffff, v16, v32;
	v16 =	vmul.f32 $1.442695020e+00, v30;
	(erf) = vpow2.f32 v53  }
0x65: {  	v23 =	vsub.f32 v23, v60;
	(erf) = vpow2.f32 v13  }
0x66: {  	(xrf1) =	vsort.dscd.msk.f32 $0xffff, v21, v0;
	v17 =	vld [tilespmem:s31+$0x20];
	v13 =	vmul.f32 $1.442695020e+00, v54;
	(erf) = vpow2.f32 v33  }
0x67: {  	v22 =	vld [tilespmem:s31+$0x30];
	v23 =	vmul.f32 $1.442695020e+00, v23;
	v45, v46, _ =	vpop (xrf1);
	(xrf1) =	vsort.dscd.msk.f32 $0xffff, v18, v3;
	(erf) = vpow2.f32 v16  }
0x68: {  	v16, v55, _ =	vpop (xrf1);
	(erf) = vpow2.f32 v13  }
0x69: {  	(xrf1) =	vsort.dscd.msk.f32 $0xffff, v19, v1;
	v34 =	vpop (erf)  }
0x6a: {  	v13, v30, _ =	vpop (xrf1);
	(erf) = vpow2.f32 v23  }
0x6b: {  	(xrf1) =	vsort.dscd.msk.f32 $0xffff, v17, v2;
	v23, v56, _ =	vpop (xrf1)  }
0x6c: {  	(xrf1) =	vsort.dscd.msk.f32 $0xffff, v22, v3;
	v35 =	vpop (erf);
	v44 =	vperm.xlane v56, v4  }
0x6d: {  	v57 =	vperm.xlane v23, v4;
	v32 =	vpop (erf)  }
0x6e: {  	v23 =	vld [tilespmem:s31+$0xFFFFFF90];
	v33 =	vpop (erf)  }
0x6f: {  	v13 =	vsel vm0, v13, v57;
	v30 =	vsel vm0, v30, v44;
	v42 =	vpop (erf)  }
0x70: {  	v47 =	vadd.f32 v35, v34;
	(xrf1) =	vsort.dscd.msk.f32 $0xffff, v13, v30;
	v44 =	vpop (erf)  }
0x71: {  	v36 =	vsub.f32 v58, v60;
	v16 =	vperm.xlane v16, v4;
	v58 =	vadd.f32 v44, v42;
	v37 =	vpop (erf)  }
0x72: {  	v48 =	vperm.xlane v55, v4;
	v13 =	vperm.xlane v59, v4;
	v30 =	vld [tilespmem:s31+$0xFFFFFF80];
	v59, v49, _ =	vpop (xrf1);
	v47 =	vadd.f32 v47, v37  }
0x73: {  	v40 =	vsub.f32 v63, v43;
	(xrf1) =	vsort.dscd.msk.f32 $0xffff, v23, v1;
	v39 =	vpop (erf);
	v38 =	vadd.f32 v58, v33  }
0x74: {  	v50, v51, _ =	vpop (xrf1);
	v43 =	vsel vm0, v59, v16;
	v48 =	vsel vm0, v49, v48;
	v47 =	vadd.f32 v47, v39  }
0x75: {  	s21 =	simm.s32 $0x380;
	v36 =	vmul.f32 $1.442695020e+00, v36;
	v40 =	vmul.f32 $1.442695020e+00, v40;
	v60, v52, _ =	vpop (xrf1);
	(xrf1) =	vsort.dscd.msk.f32 $0xffff, v43, v48;
	v38 =	vadd.f32 v38, v32  }
0x76: {  	v16 =	vld [tilespmem:s21+$0xFFFFFFA0];
	v13 =	vsel vm0, v62, v13;
	v49 =	vperm.xlane v60, v4;
	v63 =	vperm.xlane v47, v6  }
0x77: {  	v52 =	vperm.xlane v52, v4;
	v62, v61, _ =	vpop (xrf1);
	(xrf1) =	vsort.dscd.msk.f32 $0xffff, v30, v0;
	v55 =	vperm.xlane v38, v6  }
0x78: {  	v41 =	vperm.xlane v62, v4;
	v43 =	vperm.xlane v61, v4;
	v47 =	vadd.f32 v47, v63  }
0x79: {  	v45 =	vsel vm0, v45, v49;
	v46 =	vsel vm0, v46, v52;
	v53, v54, _ =	vpop (xrf1);
	v38 =	vadd.f32 v38, v55  }
0x7a: {  	v41 =	vsel vm0, v50, v41;
	v43 =	vsel vm0, v51, v43;
	v56, v57, _ =	vpop (xrf1);
	v62 =	vperm.xlane v47, v7  }
0x7b: {  	(xrf1) =	vsort.dscd.msk.f32 $0xffff, v16, v2;
	v60 =	vperm.xlane v56, v4;
	v63 =	vperm.xlane v38, v7  }
0x7c: {  	(erf) = vpow2.f32 v36;
	v61 =	vperm.xlane v57, v4;
	(xrf1) =	vsort.dscd.msk.f32 $0xffff, v45, v46;
	v47 =	vadd.f32 v47, v62  }
0x7d: {  	(erf) = vpow2.f32 v40;
	(xrf1) =	vsort.dscd.msk.f32 $0xffff, v41, v43;
	v38 =	vadd.f32 v38, v63  }
0x7e: {  	v50 =	vsel vm0, v53, v60;
	v51 =	vsel vm0, v54, v61;
	v41, v43, _ =	vpop (xrf1);
	v52 =	vperm.xlane v47, v8  }
0x7f: {  	v55 =	vmov s1;
	(xrf1) =	vsort.dscd.msk.f32 $0xffff, v50, v51;
	v40 =	vperm.xlane v41, v5;
	v53 =	vperm.xlane v38, v8  }
0x80: {  	v54 =	vor.u32 s1, v10;
	v48 =	vshll.u32 v55, $0x3;
	v45 =	vadd.f32 v47, v52  }
0x81: {  	v43 =	vperm.xlane v43, v4;
	v57, v56, _ =	vpop (xrf1);
	v28 =	vsub.f32 v28, v40;
	v36 =	vadd.f32 v38, v53  }
0x82: {  	v50 =	vand.u32 $0x7F, v54;
	v58 =	vperm.xlane v57, v4;
	v60 =	vperm.xlane v45, v9  }
0x83: {  	v27 =	vsub.f32 v27, v40;
	v28 =	vmul.f32 $1.442695020e+00, v28;
	v51, v52, _ =	vpop (xrf1);
	v61 =	vperm.xlane v36, v9  }
0x84: {  	v62 =	vperm.xlane v56, v4;
	v53 =	vperm.xlane v51, v5;
	v45 =	vadd.f32 v45, v60  }
0x85: {  	v25 =	vsub.f32 v25, v40;
	(erf) = vpow2.f32 v28;
	v28 =	vadd.f32 v36, v61  }
0x86: {  	v24 =	vsub.f32 v24, v40;
	v20 =	vsub.f32 v20, v53;
	(erf) = vrcp.f32 v45  }
0x87: {  	v56 =	vpop (erf);
	v27 =	vmul.f32 $1.442695020e+00, v27;
	v31 =	vsub.f32 v31, v53;
	(erf) = vrcp.f32 v28  }
0x88: {  	v25 =	vmul.f32 $1.442695020e+00, v25;
	v59, v63, _ =	vpop (xrf1);
	v36 =	vld [tilespmem:s21+$0x0];
	v14 =	vsub.f32 v14, v53;
	v61 =	vmul.f32 $1.442695020e+00, v20  }
0x89: {  	v60 =	vsel vm0, v59, v58;
	v47, v46, _ =	vpop (xrf1);
	v28 =	vld [tilespmem:s21+$0xFFFFFFB0];
	(erf) = vpow2.f32 v27;
	v31 =	vmul.f32 $1.442695020e+00, v31  }
0x8a: {  	v38 =	vld [tilespmem:s21+$0x10];
	v54, v55, _ =	vpop (xrf1);
	v27 =	vsel vm0, v63, v62;
	v62 =	vsub.f32 v26, v53;
	v14 =	vmul.f32 $1.442695020e+00, v14  }
0x8b: {  	v49 =	vsub.f32 v41, v40;
	v24 =	vmul.f32 $1.442695020e+00, v24;
	v26 =	vld [tilespmem:s21+$0x20];
	v63, v58, _ =	vpop (xrf1);
	(xrf1) =	vsort.dscd.msk.f32 $0xffff, v60, v27;
	(erf) = vpow2.f32 v61  }
0x8c: {  	v40 =	vld [tilespmem:s21+$0x30];
	v20 =	vpop (erf);
	v27 =	vmul.f32 $1.442695020e+00, v62;
	(erf) = vpow2.f32 v14  }
0x8d: {  	(xrf1) =	vsort.dscd.msk.f32 $0xffff, v36, v0;
	v62 =	vmul.f32 $1.442695020e+00, v49;
	(erf) = vpow2.f32 v31;
	v31, v60, _ =	vpop (xrf1)  }
0x8e: {  	v51 =	vsub.f32 v51, v53;
	v49 =	vperm.xlane v54, v4;
	(xrf1) =	vsort.dscd.msk.f32 $0xffff, v28, v3;
	v41 =	vpop (erf);
	(erf) = vpow2.f32 v27  }
0x8f: {  	(xrf1) =	vsort.dscd.msk.f32 $0xffff, v38, v1;
	v27 =	vperm.xlane v31, v4;
	(erf) = vpow2.f32 v25;
	v25 =	vand.u32 $0x400, v48;
	v48 =	vpop (erf)  }
0x90: {  	v14 =	vsel vm0, v52, v43;
	v31 =	vperm.xlane v60, v4;
	(xrf1) =	vsort.dscd.msk.f32 $0xffff, v26, v2;
	v45 =	vpop (erf)  }
0x91: {  	(erf) = vpow2.f32 v24;
	v52 =	vsel vm0, v63, v27;
	(xrf1) =	vsort.dscd.msk.f32 $0xffff, v40, v3;
	v27 =	vmul.f32 v45, v42  }
0x92: {  	v43 =	vor.u32 v50, v25;
	v50 =	vmul.f32 v48, v34;
	v35 =	vmul.f32 v48, v35  }
0x93: {  	v58 =	vsel vm0, v58, v31;
	v37 =	vmul.f32 v48, v37;
	v25 =	vpop (erf);
	v61 =	vmul.f32 v45, v44  }
0x94: {  	v33 =	vmul.f32 v45, v33;
	v32 =	vmul.f32 v45, v32;
	v44 =	vadd.f32 v25, v41;
	v24 =	vpop (erf)  }
0x95: {  	v60 =	vmul.f32 v48, v39;
	v42 =	vld [tilespmem:s21+$0xFFFFFF90];
	v53 =	vadd.f32 v27, v29;
	v57 =	vadd.f32 v61, v29;
	v27 =	vpop (erf)  }
0x96: {  	v48 =	vmul.f32 $1.600000000e+01, v48;
	v59 =	vadd.f32 v33, v29;
	v29 =	vadd.f32 v32, v29;
	v34 =	vpop (erf)  }
0x97: {  	(xrf1) =	vsort.dscd.msk.f32 $0xffff, v52, v58;
	v33 =	vadd.f32 v50, v53;
	v32 =	vadd.f32 v35, v57;
	v39 =	vpop (erf)  }
0x98: {  	v48 =	vmul.f32 v48, v56;
	v31 =	vadd.f32 v37, v59;
	v63 =	vadd.f32 v39, v34;
	v35 =	vpop (erf)  }
0x99: {  	s20 =	simm.s32 $0x2;
	v50 =	vmul.f32 $1.442695020e+00, v51;
	v51 =	vperm.xlane v55, v4;
	v55, v54, _ =	vpop (xrf1);
	v52 =	vadd.f32 v44, v35;
	v44 =	vld [tilespmem:s21+$0xFFFFFF80]  }
0x9a: {  	s19 =	simm.s32 $0x4;
	s22 =	simm.s32 $0x8;
	s18 =	simm.s32 $0x6;
	(erf) = vpow2.f32 v62;
	v29 =	vadd.f32 v60, v29;
	(xrf1) =	vsort.dscd.msk.f32 $0xffff, v42, v1;
	v37 =	vpop (erf);
	v53 =	vadd.f32 v63, v27  }
.LBB2_2:
0x9b: {  	p0 =	sne.s32 s22, $0xFE;
	s21 =	sadd.s32 $0x100, s21;
	v56, v57, _ =	vpop (xrf1);
	v49 =	vsel vm0, v55, v49;
	v51 =	vsel vm0, v54, v51;
	v52 =	vadd.f32 v52, v37  }
0x9c: {  	v54 =	vld [tilespmem:s21+$0xFFFFFFA0];
	v55, v58, _ =	vpop (xrf1);
	(xrf1) =	vsort.dscd.msk.f32 $0xffff, v49, v51;
	v49 =	vadd.f32 v53, v24;
	v51 =	vmul.f32 $1.600000000e+01, v45;
	v53 =	vperm.xlane v48, v4  }
0x9d: {  	v43 =	vor.u32 v11, v43;
	v48, v59, _ =	vpop (xrf1);
	v60 =	vperm.xlane v52, v6;
	(erf) = vpow2.f32 v50  }
0x9e: {  	v45 =	vmov v41;
	v50 =	vperm.xlane v55, v4;
	(xrf1) =	vsort.dscd.msk.f32 $0xffff, v44, v0;
	v55, v61, _ =	vpop (xrf1);
	v62 =	vperm.xlane v49, v6  }
0x9f: {  	v41 =	vperm.xlane v58, v4;
	v48 =	vperm.xlane v48, v4;
	v58, v63, _ =	vpop (xrf1);
	v52 =	vadd.f32 v52, v60  }
0xa0: {  	v59 =	vperm.xlane v59, v4;
	v58 =	vperm.xlane v58, v4;
	v49 =	vadd.f32 v49, v62  }
0xa1: {  	v60 =	vperm.xlane v63, v4;
	(xrf1) =	vsort.dscd.msk.f32 $0xffff, v54, v2;
	v62 =	vperm.xlane v52, v7  }
0xa2: {  	v47 =	vsel vm0, v47, v50;
	v41 =	vsel vm0, v46, v41;
	v46 =	vperm.xlane v49, v7  }
0xa3: {  	v63 =	vsel vm0, v56, v48;
	v56 =	vsel vm0, v57, v59;
	v52 =	vadd.f32 v52, v62;
	v48 =	vpop (erf)  }
0xa4: {  	v59 =	vor.u32 s20, v10;
	v55 =	vsel vm0, v55, v58;
	(xrf1) =	vsort.dscd.msk.f32 $0xffff, v47, v41;
	v41 =	vadd.f32 v49, v46  }
0xa5: {  	v57 =	vmov s20;
	s20 =	smov.u32 s19;
	s19 =	smov.u32 s18;
	s18 =	smov.u32 s22;
	v47 =	vsel vm0, v61, v60;
	(xrf1) =	vsort.dscd.msk.f32 $0xffff, v63, v56;
	v49, v50, _ =	vpop (xrf1);
	v60 =	vperm.xlane v52, v8  }
0xa6: {  	v58 =	vand.u32 $0x7F, v59;
	(xrf1) =	vsort.dscd.msk.f32 $0xffff, v55, v47;
	v55 =	vperm.xlane v49, v5;
	v47 =	vperm.xlane v41, v8;
	v46 =	vpop (erf)  }
0xa7: {  	v51 =	vmul.f32 v51, v20;
	v50 =	vperm.xlane v50, v4;
	v52 =	vadd.f32 v52, v60;
	v20 =	vmovc v46  }
0xa8: {  	v57 =	vshll.u32 v57, $0x3;
	v46, v56, _ =	vpop (xrf1);
	v61 =	vsub.f32 v21, v55;
	v41 =	vadd.f32 v41, v47  }
0xa9: {  	v49 =	vsub.f32 v49, v55;
	v21 =	vmovc v36;
	v46 =	vperm.xlane v46, v4;
	v47 =	vperm.xlane v52, v9  }
0xaa: {  	v51 =	vsel vm0, v51, v53;
	v36 =	vmul.f32 $1.442695020e+00, v61;
	v59, v60, _ =	vpop (xrf1);
	v61 =	vperm.xlane v41, v9  }
0xab: {  	v62 =	vsub.f32 v19, v55;
	v19 =	vmovc v38;
	v53 =	vperm.xlane v59, v5;
	v47 =	vadd.f32 v52, v47  }
0xac: {  	v52 =	vperm.xlane v56, v4;
	v38, v56, _ =	vpop (xrf1);
	(erf) = vpow2.f32 v36;
	v41 =	vadd.f32 v41, v61;
	[tilespmem:v43+s10+$0x0] =	vst.idx.msk $0xffff, v51  }
0xad: {  	v61 =	vmul.f32 $1.442695020e+00, v62;
	v51 =	vsub.f32 v18, v53;
	(erf) = vrcp.f32 v47  }
0xae: {  	[tilespmem:v43+s11+$0x0] =	vst.idx.msk $0xffff, v13;
	v18 =	vmov v28;
	v43 =	vsel vm0, v38, v46;
	v62 =	vsub.f32 v15, v53  }
0xaf: {  	v15 =	vmovc v16;
	v16 =	vmovc v54;
	v63 =	vsub.f32 v30, v53;
	v36 =	vld [tilespmem:s21+$0x0];
	(erf) = vrcp.f32 v41;
	v41 =	vmul.f32 $1.442695020e+00, v51  }
0xb0: {  	v28 =	vld [tilespmem:s21+$0xFFFFFFB0];
	v47, v46, _ =	vpop (xrf1);
	(erf) = vpow2.f32 v61;
	v61 =	vsel vm0, v56, v52;
	v52 =	vsub.f32 v23, v53  }
0xb1: {  	v13 =	vmov v14;
	v62 =	vmul.f32 $1.442695020e+00, v62;
	v23 =	vmov v42;
	v38 =	vld [tilespmem:s21+$0x10]  }
0xb2: {  	v30 =	vmovc v44;
	v14 =	vmul.f32 $1.442695020e+00, v63;
	v42 =	vsub.f32 v17, v55;
	v17 =	vmovc v26;
	(erf) = vpow2.f32 v41;
	v26 =	vld [tilespmem:s21+$0x20]  }
0xb3: {  	v22 =	vsub.f32 v22, v55;
	v44 =	vld [tilespmem:s21+$0x30];
	(xrf1) =	vsort.dscd.msk.f32 $0xffff, v43, v61;
	v51, v56, _ =	vpop (xrf1);
	v61 =	vmul.f32 $1.442695020e+00, v52;
	(erf) = vpow2.f32 v62  }
0xb4: {  	v53 =	vsub.f32 v59, v53;
	v42 =	vmul.f32 $1.442695020e+00, v42;
	(xrf1) =	vsort.dscd.msk.f32 $0xffff, v36, v0;
	v52, v54, _ =	vpop (xrf1);
	(erf) = vpow2.f32 v14  }
0xb5: {  	v62 =	vmul.f32 $1.442695020e+00, v22;
	v14 =	vsel vm0, v60, v50;
	(xrf1) =	vsort.dscd.msk.f32 $0xffff, v28, v3;
	v43, v55, _ =	vpop (xrf1);
	(erf) = vpow2.f32 v61  }
0xb6: {  	(xrf1) =	vsort.dscd.msk.f32 $0xffff, v38, v1;
	v50 =	vperm.xlane v43, v4;
	v41 =	vpop (erf);
	(erf) = vpow2.f32 v42;
	v42 =	vand.u32 $0x400, v57  }
0xb7: {  	v55 =	vperm.xlane v55, v4;
	(xrf1) =	vsort.dscd.msk.f32 $0xffff, v26, v2;
	(erf) = vpow2.f32 v62;
	v43 =	vor.u32 v58, v42;
	v57 =	vpop (erf)  }
0xb8: {  	v22 =	vmov v40;
	(xrf1) =	vsort.dscd.msk.f32 $0xffff, v44, v3;
	v58 =	vmul.f32 v57, v45;
	v59 =	vmul.f32 v57, v25;
	v45 =	vpop (erf)  }
0xb9: {  	v50 =	vsel vm0, v52, v50;
	v25 =	vpop (erf);
	v34 =	vmul.f32 v45, v34;
	v39 =	vmul.f32 v45, v39  }
0xba: {  	v40 =	vmovc v44;
	v60 =	vmul.f32 v45, v27;
	v61 =	vmul.f32 v45, v24;
	v52 =	vadd.f32 v25, v41  }
0xbb: {  	v35 =	vmul.f32 v57, v35;
	v24 =	vpop (erf);
	v33 =	vadd.f32 v34, v33;
	v32 =	vadd.f32 v39, v32  }
0xbc: {  	v37 =	vmul.f32 v57, v37;
	v31 =	vadd.f32 v60, v31;
	v29 =	vadd.f32 v61, v29;
	v42 =	vld [tilespmem:s21+$0xFFFFFF90];
	v27 =	vpop (erf)  }
.Ltmp0:
0xbd: {  	v44 =	vsel vm0, v54, v55;
	v34 =	vpop (erf);
	v33 =	vadd.f32 v58, v33;
	v32 =	vadd.f32 v59, v32;
	(pc) =	sbr.rel @p0 .LBB2_2-.Ltmp0, $4  }
0xbe: {  	v58 =	vmul.f32 $1.442695020e+00, v49;
	v31 =	vadd.f32 v35, v31;
	v29 =	vadd.f32 v37, v29;
	(xrf1) =	vsort.dscd.msk.f32 $0xffff, v50, v44;
	v39 =	vpop (erf)  }
0xbf: {  	v57 =	vmul.f32 $1.600000000e+01, v57;
	v50 =	vmul.f32 $1.442695020e+00, v53;
	v59 =	vadd.f32 v39, v34;
	v35 =	vpop (erf)  }
0xc0: {  	v49 =	vperm.xlane v51, v4;
	v51 =	vperm.xlane v56, v4;
	v44 =	vld [tilespmem:s21+$0xFFFFFF80];
	v52 =	vadd.f32 v52, v35;
	v37 =	vpop (erf)  }
0xc1: {  	s22 =	sadd.s32 $0x2, s22;
	v48 =	vmul.f32 v57, v48;
	(xrf1) =	vsort.dscd.msk.f32 $0xffff, v42, v1;
	v55, v54, _ =	vpop (xrf1);
	v53 =	vadd.f32 v59, v27;
	(erf) = vpow2.f32 v58  }
0xc2: {  	v49 =	vsel vm0, v55, v49;
	v51 =	vsel vm0, v54, v51  }
0xc3: {  	v52 =	vadd.f32 v52, v37;
	v54, v55, _ =	vpop (xrf1);
	(xrf1) =	vsort.dscd.msk.f32 $0xffff, v49, v51;
	_ =	sdelay $0x1  }
0xc4: {  	v49 =	vadd.f32 v53, v24;
	v56 =	vperm.xlane v52, v6;
	_ =	sdelay $0x1  }
0xc5: {  	v62, v53, _ =	vpop (xrf1);
	v59 =	vperm.xlane v49, v6;
	v52 =	vadd.f32 v52, v56  }
0xc6: {  	v57, v58, _ =	vpop (xrf1);
	v51 =	vperm.xlane v62, v4;
	v53 =	vperm.xlane v53, v4;
	(xrf1) =	vsort.dscd.msk.f32 $0xffff, v44, v0  }
0xc7: {  	v60, v61, _ =	vpop (xrf1);
	v58 =	vperm.xlane v58, v4;
	v49 =	vadd.f32 v49, v59;
	v59 =	vperm.xlane v52, v7  }
0xc8: {  	v56 =	vperm.xlane v57, v4;
	v57, v62, _ =	vpop (xrf1);
	v47 =	vsel vm0, v47, v51;
	v46 =	vsel vm0, v46, v53  }
0xc9: {  	v57 =	vperm.xlane v57, v4;
	v51 =	vperm.xlane v49, v7;
	v52 =	vadd.f32 v52, v59  }
0xca: {  	v62 =	vperm.xlane v62, v4;
	(xrf1) =	vsort.dscd.msk.f32 $0xffff, v47, v46;
	v53 =	vsel vm0, v54, v56  }
0xcb: {  	v54 =	vsel vm0, v55, v58;
	v63 =	vsel vm0, v60, v57;
	v51 =	vadd.f32 v49, v51  }
0xcc: {  	v60 =	vsel vm0, v61, v62;
	(xrf1) =	vsort.dscd.msk.f32 $0xffff, v53, v54;
	v56, v49, _ =	vpop (xrf1);
	v61 =	vperm.xlane v52, v8  }
0xcd: {  	(xrf1) =	vsort.dscd.msk.f32 $0xffff, v63, v60;
	v53 =	vperm.xlane v56, v5;
	v62 =	vperm.xlane v51, v8  }
0xce: {  	(erf) = vpow2.f32 v50;
	v63 =	vadd.f32 v52, v61;
	v47, v52, _ =	vpop (xrf1)  }
0xcf: {  	v21 =	vsub.f32 v21, v53;
	v51 =	vadd.f32 v51, v62;
	v47 =	vperm.xlane v47, v4;
	v55, v50, _ =	vpop (xrf1)  }
0xd0: {  	v60 =	vperm.xlane v63, v9;
	v58 =	vperm.xlane v55, v5  }
0xd1: {  	v19 =	vsub.f32 v19, v53;
	v21 =	vmul.f32 $1.442695020e+00, v21;
	v61 =	vperm.xlane v51, v9  }
0xd2: {  	v52 =	vperm.xlane v52, v4;
	v46 =	vadd.f32 v63, v60;
	v18 =	vsub.f32 v18, v58  }
0xd3: {  	v19 =	vmul.f32 $1.442695020e+00, v19;
	(erf) = vpow2.f32 v21;
	v62 =	vadd.f32 v51, v61  }
0xd4: {  	(erf) = vrcp.f32 v46;
	v15 =	vsub.f32 v15, v58;
	v18 =	vmul.f32 $1.442695020e+00, v18  }
0xd5: {  	v17 =	vsub.f32 v17, v53;
	v60 =	vsub.f32 v30, v58;
	(erf) = vrcp.f32 v62  }
0xd6: {  	v57, v63, _ =	vpop (xrf1);
	v23 =	vsub.f32 v23, v58;
	(erf) = vpow2.f32 v19;
	v15 =	vmul.f32 $1.442695020e+00, v15  }
0xd7: {  	v59 =	vsel vm0, v57, v47;
	v47 =	vpop (erf);
	v21 =	vmul.f32 $1.442695020e+00, v60;
	(erf) = vpow2.f32 v18  }
0xd8: {  	v61 =	vsel vm0, v63, v52;
	v62 =	vmul.f32 $1.442695020e+00, v23;
	v18 =	vpop (erf);
	(erf) = vpow2.f32 v15  }
0xd9: {  	v17 =	vmul.f32 $1.442695020e+00, v17;
	(xrf1) =	vsort.dscd.msk.f32 $0xffff, v59, v61;
	v63, v52, _ =	vpop (xrf1);
	v15 =	vsub.f32 v22, v53;
	(erf) = vpow2.f32 v21  }
0xda: {  	v59, v57, _ =	vpop (xrf1);
	(erf) = vpow2.f32 v62  }
0xdb: {  	v61, v60, _ =	vpop (xrf1);
	v15 =	vmul.f32 $1.442695020e+00, v15;
	(erf) = vpow2.f32 v17  }
0xdc: {  	v19 =	vpop (erf)  }
0xdd: {  	v54 =	vpop (erf);
	(erf) = vpow2.f32 v15  }
0xde: {  	v46 =	vperm.xlane v60, v4;
	v51 =	vpop (erf)  }
0xdf: {  	v62 =	vperm.xlane v61, v4;
	v22 =	vpop (erf)  }
0xe0: {  	v46 =	vsel vm0, v57, v46;
	v15 =	vpop (erf)  }
0xe1: {  	v21 =	vsel vm0, v59, v62;
	v17 =	vpop (erf)  }
0xe2: {  	v30 =	vpop (erf)  }
0xe3: {  	(xrf1) =	vsort.dscd.msk.f32 $0xffff, v21, v46;
	v57 =	vadd.f32 v22, v19;
	v46 =	vpop (erf)  }
0xe4: {  	v21 =	vpop (erf)  }
0xe5: {  	v59 =	vadd.f32 v46, v30;
	v57 =	vadd.f32 v57, v21  }
0xe6: {  	v52 =	vperm.xlane v52, v4;
	v60 =	vperm.xlane v63, v4;
	v23 =	vpop (erf)  }
0xe7: {  	v61, v62, _ =	vpop (xrf1);
	v59 =	vadd.f32 v59, v17;
	v57 =	vadd.f32 v57, v23  }
0xe8: {  	v60 =	vsel vm0, v61, v60;
	v52 =	vsel vm0, v62, v52  }
0xe9: {  	(xrf1) =	vsort.dscd.msk.f32 $0xffff, v60, v52;
	v52 =	vadd.f32 v59, v15;
	v59 =	vperm.xlane v57, v6;
	_ =	sdelay $0x1  }
0xea: {  	v60 =	vperm.xlane v52, v6;
	v57 =	vadd.f32 v57, v59;
	_ =	sdelay $0x1  }
0xeb: {  	v52 =	vadd.f32 v52, v60;
	v59 =	vperm.xlane v57, v7;
	_ =	sdelay $0x1  }
0xec: {  	v60 =	vperm.xlane v52, v7  }
0xed: {  	v57 =	vadd.f32 v57, v59  }
0xee: {  	v52 =	vadd.f32 v52, v60  }
0xef: {  	v53 =	vsub.f32 v56, v53;
	v60 =	vperm.xlane v57, v8;
	v56, v59, _ =	vpop (xrf1)  }
0xf0: {  	v55 =	vsub.f32 v55, v58;
	v63 =	vperm.xlane v52, v8;
	v61 =	vperm.xlane v56, v5  }
0xf1: {  	v53 =	vmul.f32 $1.442695020e+00, v53;
	v57 =	vadd.f32 v57, v60  }
0xf2: {  	v55 =	vmul.f32 $1.442695020e+00, v55;
	v52 =	vadd.f32 v52, v63;
	v36 =	vsub.f32 v36, v61  }
0xf3: {  	(erf) = vpow2.f32 v53;
	v53 =	vperm.xlane v57, v9  }
0xf4: {  	v58, v60, _ =	vpop (xrf1);
	v62 =	vperm.xlane v52, v9;
	v36 =	vmul.f32 $1.442695020e+00, v36  }
0xf5: {  	(erf) = vpow2.f32 v55;
	v63 =	vperm.xlane v58, v5;
	v53 =	vadd.f32 v57, v53  }
0xf6: {  	v38 =	vsub.f32 v38, v61;
	v62 =	vadd.f32 v52, v62;
	(erf) = vpow2.f32 v36  }
0xf7: {  	v28 =	vsub.f32 v28, v63;
	v16 =	vsub.f32 v16, v63;
	(erf) = vrcp.f32 v53  }
0xf8: {  	v38 =	vmul.f32 $1.442695020e+00, v38;
	v44 =	vsub.f32 v44, v63;
	(erf) = vrcp.f32 v62  }
0xf9: {  	v26 =	vsub.f32 v26, v61;
	v28 =	vmul.f32 $1.442695020e+00, v28;
	v16 =	vmul.f32 $1.442695020e+00, v16  }
0xfa: {  	v52 =	vsub.f32 v42, v63;
	v36 =	vmul.f32 $1.442695020e+00, v44;
	(erf) = vpow2.f32 v38  }
0xfb: {  	v55 =	vsub.f32 v40, v61;
	v26 =	vmul.f32 $1.442695020e+00, v26;
	(erf) = vpow2.f32 v28  }
0xfc: {  	v53 =	vmul.f32 $1.442695020e+00, v52;
	(erf) = vpow2.f32 v16  }
0xfd: {  	v16 =	vmul.f32 $1.442695020e+00, v55;
	(erf) = vpow2.f32 v36  }
0xfe: {  	v36 =	vpop (erf);
	(erf) = vpow2.f32 v53  }
0xff: {  	v28 =	vpop (erf);
	(erf) = vpow2.f32 v26  }
0x100: {  	v26 =	vpop (erf)  }
0x101: {  	(erf) = vpow2.f32 v16;
	v16 =	vpop (erf)  }
0x102: {  	v38 =	vpop (erf)  }
0x103: {  	v57 =	vmul.f32 $1.600000000e+01, v45;
	v40 =	vpop (erf)  }
0x104: {  	v44 =	vpop (erf)  }
0x105: {  	v62 =	vmov s20;
	v45 =	vpop (erf)  }
0x106: {  	v48 =	vperm.xlane v48, v4;
	v20 =	vmul.f32 v57, v20;
	v52 =	vor.u32 s20, v10;
	v42 =	vpop (erf)  }
0x107: {  	v52 =	vand.u32 $0x7F, v52;
	v55 =	vadd.f32 v40, v26;
	v57 =	vpop (erf)  }
0x108: {  	v49 =	vperm.xlane v49, v4;
	v20 =	vsel vm0, v20, v48;
	v53 =	vshll.u32 v62, $0x3;
	v62 =	vpop (erf)  }
0x109: {  	v53 =	vand.u32 $0x400, v53;
	v48 =	vadd.f32 v57, v42;
	v55 =	vadd.f32 v55, v62  }
0x10a: {  	v49 =	vsel vm0, v50, v49;
	v41 =	vmul.f32 v54, v41;
	v50 =	vor.u32 v52, v53;
	v52 =	vpop (erf)  }
0x10b: {  	v34 =	vmul.f32 v51, v34;
	v48 =	vadd.f32 v48, v45;
	v53 =	vadd.f32 v55, v52  }
0x10c: {  	v43 =	vor.u32 v11, v43;
	v25 =	vmul.f32 v54, v25;
	v39 =	vmul.f32 v51, v39  }
0x10d: {  	v33 =	vadd.f32 v34, v33;
	v48 =	vadd.f32 v48, v44;
	v34 =	vperm.xlane v53, v6  }
0x10e: {  	v35 =	vmul.f32 v54, v35;
	v27 =	vmul.f32 v51, v27;
	v32 =	vadd.f32 v39, v32  }
0x10f: {  	v55 =	vmul.f32 v51, v24;
	v39 =	vperm.xlane v48, v6;
	v34 =	vadd.f32 v53, v34  }
0x110: {  	v27 =	vadd.f32 v27, v31;
	v31 =	vmul.f32 v54, v37;
	v33 =	vadd.f32 v41, v33  }
0x111: {  	v24 =	vadd.f32 v55, v29;
	v53 =	vadd.f32 v48, v39;
	v55 =	vperm.xlane v34, v7  }
0x112: {  	v54 =	vmul.f32 $1.600000000e+01, v54;
	v25 =	vadd.f32 v25, v32;
	v27 =	vadd.f32 v35, v27  }
0x113: {  	v19 =	vmul.f32 v16, v19;
	v48 =	vperm.xlane v53, v7;
	v34 =	vadd.f32 v34, v55  }
0x114: {  	v35 =	vor.u32 v11, v50;
	v22 =	vmul.f32 v16, v22;
	v21 =	vmul.f32 v16, v21  }
0x115: {  	v30 =	vmul.f32 v38, v30;
	v32 =	vadd.f32 v53, v48;
	v37 =	vperm.xlane v34, v8  }
0x116: {  	v29 =	vmul.f32 v54, v47;
	v24 =	vadd.f32 v31, v24;
	v31 =	vmul.f32 $1.600000000e+01, v51  }
0x117: {  	v55 =	vsub.f32 v56, v61;
	v54 =	vperm.xlane v32, v8;
	v34 =	vadd.f32 v34, v37  }
0x118: {  	v56 =	vsub.f32 v58, v63;
	v53 =	vmov s19;
	v48 =	vperm.xlane v59, v4  }
0x119: {  	v59 =	vmul.f32 $1.442695020e+00, v55;
	v32 =	vadd.f32 v32, v54;
	v61 =	vperm.xlane v34, v9  }
0x11a: {  	v18 =	vmul.f32 v31, v18;
	v41 =	vshll.u32 v53, $0x3;
	v31 =	vmul.f32 $1.442695020e+00, v56  }
0x11b: {  	(erf) = vpow2.f32 v59;
	v63 =	vperm.xlane v32, v9;
	v53 =	vadd.f32 v34, v61  }
0x11c: {  	v17 =	vmul.f32 v38, v17;
	v30 =	vadd.f32 v30, v33;
	(erf) = vpow2.f32 v31  }
0x11d: {  	v15 =	vmul.f32 v38, v15;
	v54 =	vadd.f32 v32, v63;
	(erf) = vrcp.f32 v53  }
0x11e: {  	v17 =	vadd.f32 v17, v27;
	v33 =	vor.u32 s18, v10;
	v19 =	vadd.f32 v19, v30  }
0x11f: {  	v29 =	vperm.xlane v29, v4;
	v39 =	vor.u32 s19, v10;
	(erf) = vrcp.f32 v54  }
0x120: {  	v58 =	vand.u32 $0x7F, v39;
	v56 =	vmul.f32 v38, v46;
	v55 =	vand.u32 $0x400, v41  }
0x121: {  	v15 =	vadd.f32 v15, v24;
	v18 =	vsel vm0, v18, v29;
	v29 =	vor.u32 v58, v55  }
0x122: {  	v58 =	vmul.f32 $1.600000000e+01, v16;
	v25 =	vadd.f32 v56, v25;
	v16 =	vmul.f32 v16, v23  }
0x123: {  	v17 =	vadd.f32 v21, v17;
	v23 =	vand.u32 $0x7F, v33;
	v37 =	vor.u32 v11, v29  }
0x124: {  	v59 =	vmul.f32 v58, v36;
	v22 =	vadd.f32 v22, v25;
	v15 =	vadd.f32 v16, v15;
	v63 =	vpop (erf)  }
0x125: {  	s28 =	simm.s32 $0x0;
	v34 =	vmov s18;
	v32 =	vsel vm0, v60, v48;
	v60 =	vmul.f32 $1.600000000e+01, v38;
	v36 =	vpop (erf)  }
0x126: {  	v61 =	vperm.xlane v59, v4;
	v59 =	vmov s28;
	v25 =	vshll.u32 v34, $0x3;
	v38 =	vpop (erf)  }
0x127: {  	[tilespmem:v43+s10+$0x0] =	vst.idx.msk $0xffff, v20;
	v20 =	vshll.u32 v59, $0x3;
	v24 =	vmul.f32 v60, v28;
	v39 =	vmul.f32 v38, v26  }
0x128: {  	[tilespmem:v43+s11+$0x0] =	vst.idx.msk $0xffff, v13;
	v47 =	vand.u32 $0x400, v25;
	v41 =	vmul.f32 v38, v40;
	v46 =	vpop (erf);
	v53 =	vmul.f32 $1.600000000e+01, v38  }
0x129: {  	[tilespmem:v35+s10+$0x0] =	vst.idx.msk $0xffff, v18;
	v20 =	vand.u32 $0x400, v20;
	v60 =	vmul.f32 v38, v52;
	v48 =	vmul.f32 v46, v42  }
0x12a: {  	v13 =	vor.u32 v23, v47;
	v50 =	vmul.f32 v46, v57;
	v51 =	vmul.f32 v46, v45  }
0x12b: {  	[tilespmem:v35+s11+$0x0] =	vst.idx.msk $0xffff, v14;
	v13 =	vor.u32 v11, v13;
	v56 =	vmul.f32 $1.600000000e+01, v46;
	v55 =	vmul.f32 v53, v63  }
0x12c: {  	v16 =	vsel vm0, v24, v61;
	v54 =	vmul.f32 v46, v44;
	v57 =	vmul.f32 v38, v62  }
0x12d: {  	v61 =	vor.u32 s28, v10;
	[tilespmem:v37+s10+$0x0] =	vst.idx.msk $0xffff, v16;
	v58 =	vmul.f32 v56, v36;
	v14 =	vperm.xlane v55, v4  }
0x12e: {  	[tilespmem:v37+s11+$0x0] =	vst.idx.msk $0xffff, v49;
	v62 =	vand.u32 $0x79, v61;
	v19 =	vadd.f32 v48, v19;
	v22 =	vadd.f32 v50, v22  }
0x12f: {  	v17 =	vadd.f32 v51, v17;
	v15 =	vadd.f32 v54, v15;
	v14 =	vsel vm0, v58, v14  }
0x130: {  	v19 =	vadd.f32 v39, v19;
	[tilespmem:v13+s10+$0x0] =	vst.idx.msk $0xffff, v14;
	v14 =	vor.u32 v62, v20  }
0x131: {  	v63 =	vadd.f32 v41, v22;
	[tilespmem:v13+s11+$0x0] =	vst.idx.msk $0xffff, v32;
	v13 =	vor.u32 v11, v14  }
0x132: {  	v15 =	vadd.f32 v60, v15;
	[tilespmem:$0x9200] =	vst v19  }
0x133: {  	v14 =	vadd.f32 v57, v17;
	[tilespmem:$0x9210] =	vst v63  }
0x134: {  	[tilespmem:$0x9230] =	vst v15  }
0x135: {  	s29 =	simm.s32 $0x2;
	[tilespmem:$0x9220] =	vst v14  }
0x136: {  	v14 =	vmov s29;
	v13 =	vld.idx.msk [tilespmem:v13+s11+$0x0], $0xffff  }
0x137: {  	v15 =	vor.u32 s29, v10;
	v14 =	vshll.u32 v14, $0x3  }
0x138: {  	v15 =	vand.u32 $0x7B, v15;
	v14 =	vand.u32 $0x400, v14  }
0x139: {  	v14 =	vor.u32 v15, v14  }
0x13a: {  	v14 =	vor.u32 v11, v14;
	_ =	sdelay $0x3  }
0x13b: {  	s30 =	simm.s32 $0x4;
	[tilespmem:v13+s12+$0x0] =	vst.idx.add.f32.msk $0xffff, v12  }
0x13c: {  	v13 =	vld.idx.msk [tilespmem:v14+s11+$0x0], $0xffff;
	v14 =	vmov s30  }
0x13d: {  	v15 =	vor.u32 s30, v10;
	v14 =	vshll.u32 v14, $0x3  }
0x13e: {  	v15 =	vand.u32 $0x7D, v15;
	v14 =	vand.u32 $0x400, v14  }
0x13f: {  	v14 =	vor.u32 v15, v14  }
0x140: {  	v14 =	vor.u32 v11, v14;
	_ =	sdelay $0x3  }
0x141: {  	s31 =	simm.s32 $0x6;
	[tilespmem:v13+s13+$0x0] =	vst.idx.add.f32.msk $0xffff, v12  }
0x142: {  	v13 =	vld.idx.msk [tilespmem:v14+s11+$0x0], $0xffff;
	v14 =	vmov s31  }
0x143: {  	v15 =	vor.u32 s31, v10;
	v14 =	vshll.u32 v14, $0x3  }
0x144: {  	v15 =	vand.u32 $0x7F, v15;
	v14 =	vand.u32 $0x400, v14  }
0x145: {  	v14 =	vor.u32 v15, v14  }
0x146: {  	v15 =	vor.u32 v11, v14;
	_ =	sdelay $0x3  }
0x147: {  	s18 =	simm.s32 $0x8;
	[tilespmem:v13+s14+$0x0] =	vst.idx.add.f32.msk $0xffff, v12  }
0x148: {  	s19 =	simm.s32 $0x10;
	v14 =	vmov s18;
	v13 =	vld.idx.msk [tilespmem:v15+s11+$0x0], $0xffff  }
.LBB2_4:
0x149: {  	p0 =	sne.s32 s19, $0xF8;
	v15 =	vor.u32 s18, v10;
	v14 =	vshll.u32 v14, $0x3  }
0x14a: {  	v15 =	vand.u32 $0x79, v15;
	v14 =	vand.u32 $0x400, v14  }
0x14b: {  	v14 =	vor.u32 v15, v14  }
0x14c: {  	v14 =	vor.u32 v11, v14;
	_ =	sdelay $0x3  }
0x14d: {  	s20 =	sadd.s32 $0x2, s18;
	[tilespmem:v13+s15+$0x0] =	vst.idx.add.f32.msk $0xffff, v12  }
0x14e: {  	v13 =	vld.idx.msk [tilespmem:v14+s11+$0x0], $0xffff;
	v14 =	vmov s20  }
0x14f: {  	v15 =	vor.u32 s20, v10;
	v14 =	vshll.u32 v14, $0x3  }
0x150: {  	v15 =	vand.u32 $0x7B, v15;
	v14 =	vand.u32 $0x400, v14  }
0x151: {  	v14 =	vor.u32 v15, v14  }
0x152: {  	v14 =	vor.u32 v11, v14;
	_ =	sdelay $0x3  }
0x153: {  	s20 =	sadd.s32 $0x4, s18;
	[tilespmem:v13+s12+$0x0] =	vst.idx.add.f32.msk $0xffff, v12  }
0x154: {  	v13 =	vld.idx.msk [tilespmem:v14+s11+$0x0], $0xffff;
	v14 =	vmov s20  }
0x155: {  	v15 =	vor.u32 s20, v10;
	v14 =	vshll.u32 v14, $0x3  }
0x156: {  	v15 =	vand.u32 $0x7D, v15;
	v14 =	vand.u32 $0x400, v14  }
0x157: {  	v14 =	vor.u32 v15, v14  }
0x158: {  	v14 =	vor.u32 v11, v14;
	_ =	sdelay $0x3  }
0x159: {  	s20 =	sadd.s32 $0x6, s18;
	s18 =	smov.u32 s19;
	[tilespmem:v13+s13+$0x0] =	vst.idx.add.f32.msk $0xffff, v12  }
0x15a: {  	v13 =	vld.idx.msk [tilespmem:v14+s11+$0x0], $0xffff;
	v14 =	vmov s20  }
0x15b: {  	v15 =	vor.u32 s20, v10;
	v14 =	vshll.u32 v14, $0x3  }
0x15c: {  	v15 =	vand.u32 $0x7F, v15;
	v14 =	vand.u32 $0x400, v14  }
0x15d: {  	v14 =	vor.u32 v15, v14  }
0x15e: {  	v15 =	vor.u32 v11, v14  }
.Ltmp1:
0x15f: {  	(pc) =	sbr.rel @p0 .LBB2_4-.Ltmp1, $3  }
0x160: {  	_ =	sdelay $0x1  }
0x161: {  	[tilespmem:v13+s14+$0x0] =	vst.idx.add.f32.msk $0xffff, v12  }
0x162: {  	s19 =	sadd.s32 $0x8, s19;
	v14 =	vmov s18;
	v13 =	vld.idx.msk [tilespmem:v15+s11+$0x0], $0xffff  }
0x163: {  	_ = 	snop  }
0x164: {  	v15 =	vor.u32 s18, v10;
	v14 =	vshll.u32 v14, $0x3  }
0x165: {  	v15 =	vand.u32 $0x79, v15;
	v14 =	vand.u32 $0x400, v14  }
0x166: {  	v14 =	vor.u32 v15, v14  }
0x167: {  	v14 =	vor.u32 v11, v14;
	_ =	sdelay $0x3  }
0x168: {  	s19 =	sadd.s32 $0x2, s18;
	[tilespmem:v13+s15+$0x0] =	vst.idx.add.f32.msk $0xffff, v12  }
0x169: {  	v13 =	vld.idx.msk [tilespmem:v14+s11+$0x0], $0xffff;
	v14 =	vmov s19  }
0x16a: {  	v15 =	vor.u32 s19, v10;
	v14 =	vshll.u32 v14, $0x3  }
0x16b: {  	v15 =	vand.u32 $0x7B, v15;
	v14 =	vand.u32 $0x400, v14  }
0x16c: {  	v14 =	vor.u32 v15, v14  }
0x16d: {  	v14 =	vor.u32 v11, v14;
	_ =	sdelay $0x3  }
0x16e: {  	s30 =	sadd.s32 $0x4, s18;
	[tilespmem:v13+s12+$0x0] =	vst.idx.add.f32.msk $0xffff, v12  }
0x16f: {  	v13 =	vld.idx.msk [tilespmem:v14+s11+$0x0], $0xffff;
	v14 =	vmov s30  }
0x170: {  	v15 =	vor.u32 s30, v10;
	v14 =	vshll.u32 v14, $0x3  }
0x171: {  	v15 =	vand.u32 $0x7D, v15;
	v14 =	vand.u32 $0x400, v14  }
0x172: {  	v14 =	vor.u32 v15, v14  }
0x173: {  	v14 =	vor.u32 v11, v14;
	_ =	sdelay $0x3  }
0x174: {  	s31 =	sadd.s32 $0x6, s18;
	[tilespmem:v13+s13+$0x0] =	vst.idx.add.f32.msk $0xffff, v12  }
0x175: {  	v13 =	vld.idx.msk [tilespmem:v14+s11+$0x0], $0xffff;
	v14 =	vmov s31  }
0x176: {  	v15 =	vor.u32 s31, v10;
	v14 =	vshll.u32 v14, $0x3  }
0x177: {  	v15 =	vand.u32 $0x7F, v15;
	v14 =	vand.u32 $0x400, v14  }
0x178: {  	v14 =	vor.u32 v15, v14  }
0x179: {  	v14 =	vor.u32 v11, v14;
	_ =	sdelay $0x3  }
0x17a: {  	[tilespmem:v13+s14+$0x0] =	vst.idx.add.f32.msk $0xffff, v12  }
0x17b: {  	v13 =	vld.idx.msk [tilespmem:v14+s11+$0x0], $0xffff;
	_ =	sdelay $0x7  }
0x17c: {  	[tilespmem:v13+s15+$0x0] =	vst.idx.add.f32.msk $0xffff, v12  }
0x17d: {  	v13 =	vld [tilespmem:$0x9000]  }
0x17e: {  	v14 =	vld [tilespmem:$0x9080]  }
0x17f: {  	v15 =	vld [tilespmem:$0x9100]  }
0x180: {  	v16 =	vld [tilespmem:$0x9180]  }
0x181: {  	v17 =	vld [tilespmem:$0x9010]  }
0x182: {  	v18 =	vld [tilespmem:$0x9090]  }
0x183: {  	v19 =	vld [tilespmem:$0x9110]  }
0x184: {  	v20 =	vld [tilespmem:$0x9190]  }
0x185: {  	v21 =	vld [tilespmem:$0x9020]  }
0x186: {  	v22 =	vld [tilespmem:$0x90A0]  }
0x187: {  	v23 =	vld [tilespmem:$0x9120]  }
0x188: {  	v24 =	vld [tilespmem:$0x91A0]  }
0x189: {  	v25 =	vld [tilespmem:$0x9030]  }
0x18a: {  	v26 =	vld [tilespmem:$0x90B0]  }
0x18b: {  	v27 =	vld [tilespmem:$0x9130]  }
0x18c: {  	v13 =	vadd.f32 v14, v13;
	v14 =	vadd.f32 v16, v15;
	v15 =	vld [tilespmem:$0x91B0];
	_ =	sdelay $0x1  }
0x18d: {  	v59 =	vadd.f32 v18, v17;
	v60 =	vadd.f32 v20, v19  }
0x18e: {  	v61 =	vadd.f32 v22, v21;
	v62 =	vadd.f32 v24, v23  }
0x18f: {  	v63 =	vadd.f32 v26, v25;
	v13 =	vadd.f32 v14, v13  }
0x190: {  	v14 =	vadd.f32 v60, v59;
	v15 =	vadd.f32 v15, v27  }
0x191: {  	[tilespmem:$0x9000] =	vst v13;
	v13 =	vadd.f32 v62, v61  }
0x192: {  	[tilespmem:$0x9010] =	vst v14;
	v14 =	vadd.f32 v15, v63  }
0x193: {  	[tilespmem:$0x9020] =	vst v13  }
0x194: {  	[tilespmem:$0x9030] =	vst v14  }
0x195: {  	[hbm4b:s4+s1] =	stream.linear.scatter [tilespmem:s10], [sflag:$0x1], $0x800, $0x38;
	[tilespmem:$0x9280] =	vst v63  }
0x196: {  	_ =	swait.ge [sflag:s9], $0x800  }
0x197: {  	[sflag:s9] =	ssyncset.done $0x0  }
0x198: {  	[sflag:s9] =	ssyncadd.s32 $0xFFFFF800  }
0x199: {  	[hbm4b:s5+s1] =	stream.linear.scatter [tilespmem:s11], [sflag:$0x1], $0x800, $0x38;
	[tilespmem:$0x9280] =	vst v63  }
0x19a: {  	_ =	swait.ge [sflag:s9], $0x800  }
0x19b: {  	[sflag:s9] =	ssyncset.done $0x0  }
0x19c: {  	[sflag:s9] =	ssyncadd.s32 $0xFFFFF800  }
0x19d: {  	[hbm4b:s6+s1] =	stream.linear.scatter [tilespmem:s12], [sflag:$0x1], $0x80, $0x38;
	[tilespmem:$0x9280] =	vst v63  }
0x19e: {  	s17 =	sadd.s32 $0x1, s17;
	_ =	swait.ge [sflag:s9], $0x80  }
0x19f: {  	p0 =	sne.s32 s17, s8;
	[sflag:s9] =	ssyncset.done $0x0  }
.Ltmp2:
0x1a0: {  	[sflag:s9] =	ssyncadd.s32 $0xFFFFFF80;
	(pc) =	sbr.rel @p0 .LBB2_1-.Ltmp2, $4  }
0x1a1: {  	[hbm4b:s7+s1] =	stream.linear.scatter [tilespmem:s16], [sflag:$0x1], $0x80, $0x38;
	[tilespmem:$0x9280] =	vst v63  }
0x1a2: {  	_ =	swait.ge [sflag:s9], $0x80  }
0x1a3: {  	[sflag:s9] =	ssyncset.done $0x0  }
0x1a4: {  	[sflag:s9] =	ssyncadd.s32 $0xFFFFFF80  }
0x1a5: {  	_ =	sfence.sel $0x180000  }
0x1a6: {  	[bflag:$0x0] =	sbarrier.arrive $0xFFFF  }
0x1a7: {  	p0 =	sne.s32 s0, $0x0;
	_ =	strace $0x90000047  }
0x1a8: {  	s0 =	sadd.s32 @!p0 $0x100000, s2;
	[bflag:$0x2] =	sbarrier.arrive $0xFFFF  }
0x1a9: {  	[sflag:s0] =	ssyncadd.tile.s32 @!p0 $0x1;
	_ =	shalt  }
.Lfunc_end2:
_tile_overlayer_lowered:
.L_overlay_start_2:
0x1aa: {  	(tag) =	ssettag $0x2  }
0x1ab: {  	s0 =	rddreg [dreg:$0x0];
	s2 =	stileid.u32  }
0x1ac: {  	s1 =	rddreg [dreg:$0x1];
	p0 =	sne.s32 s2, $0x0  }
0x1ad: {  	s3 =	rddreg [dreg:$0x2];
	[bflag:$0x3] =	sbarrier.arrive $0xFFFF;
	s2 =	simm.s32 @!p0 $0x1C01  }
0x1ae: {  	[timem:s3], [sflag:s2] =	dma.local @!p0 [hbm:s0], s1  }
0x1af: {  	s0 =	simm.s32 @!p0 $0x1  }
0x1b0: {  	_ =	swait.ge @!p0 [sflag:s0], s1  }
0x1b1: {  	s1 =	ssub.s32 @!p0 $0x0, s1;
	[sflag:s0] =	ssyncset.done @!p0 $0x0  }
0x1b2: {  	[sflag:s0] =	ssyncadd.s32 @!p0 s1  }
0x1b3: {  	[bflag:$0x3] =	sbarrier.arrive $0xFFFF  }
0x1b4: {  	_ =	shalt  }

</sc_bundles>
